<compile_context>
chip_gen: v7x
topology: tpu7x:2x2x1
jax: 0.10.2.dev20260603
libtpu: 0.0.44.dev20260713+nightly
codegen_flags: <defaults>
</compile_context>

<pallas_src>
import functools

import jax
import jax.numpy as jnp
from jax import lax
from jax.experimental import pallas as pl
from jax.experimental.pallas import tpu as pltpu
from jax.experimental.pallas import tpu_sc as plsc

B = 16
N = 1516
NP = 1536
NB = 128
NBLK = NP // NB
K = 20
BIG = 1e30
CNT_NK = float(B * N * K)
CNT_N = float(B * N)
EPS = 1e-5


def _knn_body(f_ref, xy_ref, xt_ref, wg_ref, wc_ref, wx_ref, t_ref, cc_ref,
              gi_ref):
    b = pl.program_id(0)
    fb = f_ref[0]
    xyb = xy_ref[0]
    xq0 = xyb[:, 0:1]
    xq1 = xyb[:, 1:2]
    xq2 = xyb[:, 2:3]
    txyz = (xq0 * wx_ref[0:1, :] + xq1 * wx_ref[1:2, :]
            + xq2 * wx_ref[2:3, :])
    t_ref[0] = jnp.dot(fb, wg_ref[...],
                       preferred_element_type=jnp.float32) + txyz
    cc_ref[0] = jnp.dot(fb, wc_ref[...],
                        preferred_element_type=jnp.float32) - txyz

    xk = xt_ref[0]
    xk0 = xk[0:1, :]
    xk1 = xk[1:2, :]
    xk2 = xk[2:3, :]
    def b16(v):
        return v.astype(jnp.bfloat16).astype(jnp.float32)

    cross = b16(xq0) * b16(xk0) + b16(xq1) * b16(xk1) + b16(xq2) * b16(xk2)
    sqq = xq0 * xq0 + xq1 * xq1 + xq2 * xq2
    sqk = xk0 * xk0 + xk1 * xk1 + xk2 * xk2
    dist = -2.0 * cross + sqq + sqk
    col = lax.broadcasted_iota(jnp.int32, (NB, NP), 1)
    dist = jnp.where(col < N, dist, BIG)

    cols = []
    for _ in range(K):
        j = jnp.argmin(dist, axis=1).astype(jnp.int32)[:, None]
        cols.append(j)
        dist = jnp.where(col == j, BIG, dist)
    idx = jnp.concatenate(cols, axis=1)
    idx = jnp.minimum(jnp.maximum(idx, 0), N - 1)
    gi_ref[0] = idx + b * NP


def _knn(feature, xyz, xt, wg, wc, wx):
    return pl.pallas_call(
        _knn_body,
        grid=(B, NBLK),
        in_specs=[
            pl.BlockSpec((1, NB, 64), lambda b, i: (b, i, 0)),
            pl.BlockSpec((1, NB, 3), lambda b, i: (b, i, 0)),
            pl.BlockSpec((1, 8, NP), lambda b, i: (b, 0, 0)),
            pl.BlockSpec((64, 128), lambda b, i: (0, 0)),
            pl.BlockSpec((64, 128), lambda b, i: (0, 0)),
            pl.BlockSpec((8, 128), lambda b, i: (0, 0)),
        ],
        out_specs=[
            pl.BlockSpec((1, NB, 128), lambda b, i: (b, i, 0)),
            pl.BlockSpec((1, NB, 128), lambda b, i: (b, i, 0)),
            pl.BlockSpec((1, NB, K), lambda b, i: (b, i, 0)),
        ],
        out_shape=[
            jax.ShapeDtypeStruct((B, NP, 128), jnp.float32),
            jax.ShapeDtypeStruct((B, NP, 128), jnp.float32),
            jax.ShapeDtypeStruct((B, NP, K), jnp.int32),
        ],
        interpret=False,
    )(feature, xyz, xt, wg, wc, wx)


R = B * NP * K
NW = 32
PER_W = R // NW
CHUNKS = PER_W // 128


def _gather(table, gidx2):
    mesh = plsc.VectorSubcoreMesh(core_axis_name="c", subcore_axis_name="s")

    @functools.partial(
        pl.kernel,
        out_type=jax.ShapeDtypeStruct((R, 128), jnp.float32),
        mesh=mesh,
        scratch_types=[
            pltpu.VMEM((128,), jnp.int32),
            pltpu.VMEM((128,), jnp.int32),
            pltpu.VMEM((128, 128), jnp.float32),
            pltpu.VMEM((128, 128), jnp.float32),
            pltpu.SemaphoreType.DMA,
            pltpu.SemaphoreType.DMA,
        ],
    )
    def k(table_hbm, gidx_hbm, out_hbm, i0, i1, r0, r1, s0, s1):
        c = lax.axis_index("c")
        s = lax.axis_index("s")
        wid = s * 2 + c
        crow = wid * CHUNKS
        base = wid * PER_W

        def body(t, carry):
            g0 = 2 * t
            g1 = 2 * t + 1
            pltpu.sync_copy(gidx_hbm.at[crow + g0], i0)
            cp0 = pltpu.async_copy(table_hbm.at[i0], r0, s0)
            pltpu.sync_copy(gidx_hbm.at[crow + g1], i1)
            cp1 = pltpu.async_copy(table_hbm.at[i1], r1, s1)
            cp0.wait()
            pltpu.sync_copy(r0, out_hbm.at[pl.ds(base + g0 * 128, 128)])
            cp1.wait()
            pltpu.sync_copy(r1, out_hbm.at[pl.ds(base + g1 * 128, 128)])
            return carry

        lax.fori_loop(0, CHUNKS // 2, body, 0)

    return k(table, gidx2)


def _passa_body(g_ref, cc_ref, st_ref, uh_ref, kv_ref):
    first = (pl.program_id(0) == 0) & (pl.program_id(1) == 0)

    @pl.when(first)
    def _():
        st_ref[...] = jnp.zeros((8, 128), jnp.float32)

    g = g_ref[0]
    cc = cc_ref[0]
    u = g + cc[:, None, :]
    uh_ref[0] = u[:, :, :64]

    n0 = pl.program_id(1) * NB
    nloc = lax.broadcasted_iota(jnp.int32, (NB, 1, 1), 0)
    mask = (n0 + nloc) < N
    um = jnp.where(mask, u, 0.0)
    um2 = jnp.where(mask, u * u, 0.0)
    st_ref[0:1, :] += jnp.sum(um, axis=(0, 1))[None, :]
    st_ref[1:2, :] += jnp.sum(um2, axis=(0, 1))[None, :]

    kp = u[:, :, 96:128]
    vp = u[:, :, 64:96]
    mx = jnp.max(kp, axis=1, keepdims=True)
    e = jnp.exp(kp - mx)
    ky = e / jnp.sum(e, axis=1, keepdims=True)
    kv_ref[0] = lax.dot_general(
        ky, vp, (((1,), (1,)), ((0,), (0,))),
        preferred_element_type=jnp.float32)


def _passa(g4, cc):
    return pl.pallas_call(
        _passa_body,
        grid=(B, NBLK),
        in_specs=[
            pl.BlockSpec((1, NB, K, 128), lambda b, i: (b, i, 0, 0)),
            pl.BlockSpec((1, NB, 128), lambda b, i: (b, i, 0)),
        ],
        out_specs=[
            pl.BlockSpec((8, 128), lambda b, i: (0, 0)),
            pl.BlockSpec((1, NB, K, 64), lambda b, i: (b, i, 0, 0)),
            pl.BlockSpec((1, NB, 32, 32), lambda b, i: (b, i, 0, 0)),
        ],
        out_shape=[
            jax.ShapeDtypeStruct((8, 128), jnp.float32),
            jax.ShapeDtypeStruct((B, NP, K, 64), jnp.float32),
            jax.ShapeDtypeStruct((B, NP, 32, 32), jnp.float32),
        ],
        interpret=False,
    )(g4, cc)


def _passb_body(uh_ref, st_ref, w2_ref, h2_ref, st2_ref):
    first = (pl.program_id(0) == 0) & (pl.program_id(1) == 0)

    @pl.when(first)
    def _():
        st2_ref[...] = jnp.zeros((8, 128), jnp.float32)

    mu = st_ref[0:1, :64] / CNT_NK
    var = st_ref[1:2, :64] / CNT_NK - mu * mu
    rstd = lax.rsqrt(var + EPS)
    u = uh_ref[0].reshape(NB * K, 64)
    h1 = jnp.maximum((u - mu) * rstd, 0.0)
    h2 = jnp.dot(h1, w2_ref[...], preferred_element_type=jnp.float32)
    h2_ref[0] = jnp.max(h2.reshape(NB, K, 64), axis=1)

    n0 = pl.program_id(1) * NB
    rr = lax.broadcasted_iota(jnp.int32, (NB * K, 1), 0)
    mask = (n0 + rr // K) < N
    hm = jnp.where(mask, h2, 0.0)
    hm2 = jnp.where(mask, h2 * h2, 0.0)
    st2_ref[0:1, :64] += jnp.sum(hm, axis=0)[None, :]
    st2_ref[1:2, :64] += jnp.sum(hm2, axis=0)[None, :]


def _passb(uh1, stats, w2t):
    return pl.pallas_call(
        _passb_body,
        grid=(B, NBLK),
        in_specs=[
            pl.BlockSpec((1, NB, K, 64), lambda b, i: (b, i, 0, 0)),
            pl.BlockSpec((8, 128), lambda b, i: (0, 0)),
            pl.BlockSpec((64, 64), lambda b, i: (0, 0)),
        ],
        out_specs=[
            pl.BlockSpec((1, NB, 64), lambda b, i: (b, i, 0)),
            pl.BlockSpec((8, 128), lambda b, i: (0, 0)),
        ],
        out_shape=[
            jax.ShapeDtypeStruct((B, NP, 64), jnp.float32),
            jax.ShapeDtypeStruct((8, 128), jnp.float32),
        ],
        interpret=False,
    )(uh1, stats, w2t)


def _passc_body(h2_ref, st2_ref, wq_ref, qp_ref, qs_ref):
    first = (pl.program_id(0) == 0) & (pl.program_id(1) == 0)

    @pl.when(first)
    def _():
        qs_ref[...] = jnp.zeros((8, 256), jnp.float32)

    mu = st2_ref[0:1, :64] / CNT_NK
    var = st2_ref[1:2, :64] / CNT_NK - mu * mu
    rstd = lax.rsqrt(var + EPS)
    h = h2_ref[0]
    fq = jnp.maximum((h - mu) * rstd, 0.0)
    qp = jnp.dot(fq, wq_ref[...], preferred_element_type=jnp.float32)
    qp_ref[0] = qp

    n0 = pl.program_id(1) * NB
    rr = lax.broadcasted_iota(jnp.int32, (NB, 1), 0)
    mask = (n0 + rr) < N
    qm = jnp.where(mask, qp, 0.0)
    qm2 = jnp.where(mask, qp * qp, 0.0)
    qs_ref[0:1, :] += jnp.sum(qm, axis=0)[None, :]
    qs_ref[1:2, :] += jnp.sum(qm2, axis=0)[None, :]


def _passc(h2, stats2, wqt):
    return pl.pallas_call(
        _passc_body,
        grid=(B, NBLK),
        in_specs=[
            pl.BlockSpec((1, NB, 64), lambda b, i: (b, i, 0)),
            pl.BlockSpec((8, 128), lambda b, i: (0, 0)),
            pl.BlockSpec((64, 256), lambda b, i: (0, 0)),
        ],
        out_specs=[
            pl.BlockSpec((1, NB, 256), lambda b, i: (b, i, 0)),
            pl.BlockSpec((8, 256), lambda b, i: (0, 0)),
        ],
        out_shape=[
            jax.ShapeDtypeStruct((B, NP, 256), jnp.float32),
            jax.ShapeDtypeStruct((8, 256), jnp.float32),
        ],
        interpret=False,
    )(h2, stats2, wqt)


def _passd_body(qp_ref, kv_ref, qs_ref, st_ref, o_ref):
    muq = qs_ref[0:1, :] / CNT_N
    varq = qs_ref[1:2, :] / CNT_N - muq * muq
    rstdq = lax.rsqrt(varq + EPS)
    qn = jnp.maximum((qp_ref[0] - muq) * rstdq, 0.0)

    muv = st_ref[0:1, 64:96] / CNT_NK
    varv = st_ref[1:2, 64:96] / CNT_NK - muv * muv
    rstdv = lax.rsqrt(varv + EPS)
    kva = (kv_ref[0] - muv[:, None, :]) * rstdv[:, None, :]

    qr = qn.reshape(NB, 8, 32)
    oh = lax.dot_general(
        qr, kva, (((2,), (1,)), ((0,), (0,))),
        preferred_element_type=jnp.float32)
    o_ref[0] = jnp.transpose(oh.reshape(NB, 256), (1, 0))


def _passd(qpre, kva, qstats, stats):
    return pl.pallas_call(
        _passd_body,
        grid=(B, NBLK),
        in_specs=[
            pl.BlockSpec((1, NB, 256), lambda b, i: (b, i, 0)),
            pl.BlockSpec((1, NB, 32, 32), lambda b, i: (b, i, 0, 0)),
            pl.BlockSpec((8, 256), lambda b, i: (0, 0)),
            pl.BlockSpec((8, 128), lambda b, i: (0, 0)),
        ],
        out_specs=[
            pl.BlockSpec((1, 256, NB), lambda b, i: (b, 0, i)),
        ],
        out_shape=[
            jax.ShapeDtypeStruct((B, 256, N), jnp.float32),
        ],
        interpret=False,
    )(qpre, kva, qstats, stats)


def kernel(xyz, feature, W1, W2, Wv, Wk, Wq, Wh):
    f32 = jnp.float32

    W1a, W1b, W1c = W1[:, :64], W1[:, 64:128], W1[:, 128:160]
    Wva, Wvb, Wvc = Wv[:, :64], Wv[:, 64:128], Wv[:, 128:160]
    Wka, Wkb, Wkc = Wk[:, :64], Wk[:, 64:128], Wk[:, 128:160]
    C1, Cv, Ck = W1c @ Wh, Wvc @ Wh, Wkc @ Wh

    wg = jnp.concatenate([W1a.T, Wva.T, Wka.T], axis=1)
    mid = jnp.concatenate([C1.T, Cv.T, Ck.T], axis=1)
    wx = jnp.concatenate([mid, jnp.zeros((5, 128), f32)], axis=0)
    wc = jnp.concatenate(
        [(W1b - W1a).T, (Wvb - Wva).T, (Wkb - Wka).T], axis=1)
    w2t = W2.T
    wqt = Wq.T

    xt = jnp.zeros((B, 8, NP), f32)
    xt = xt.at[:, :3, :N].set(xyz.transpose(0, 2, 1))

    t_tab, cc, gidx = _knn(feature, xyz, xt, wg, wc, wx)
    g = _gather(t_tab.reshape(B * NP, 128), gidx.reshape(R // 128, 128))
    stats, uh1, kva = _passa(g.reshape(B, NP, K, 128), cc)
    h2, stats2 = _passb(uh1, stats, w2t)
    qpre, qstats = _passc(h2, stats2, wqt)
    (out,) = _passd(qpre, kva, qstats, stats)
    return (xyz, out)

# --- scband reference (transcript-rebuilt; emitter-appended) ---
"""Pipeline reference for scband-transformer-49168785604995 (READ-ONLY COPY).

The authoritative reference and input builder live on the scoring server;
editing this copy changes nothing except your own understanding.
"""

import jax, jax.numpy as jnp
import numpy as np


def _bn(x, axes):
    m = jnp.mean(x, axis=axes, keepdims=True)
    v = jnp.var(x, axis=axes, keepdims=True)
    return (x - m) / jnp.sqrt(v + 1e-5)


def setup_inputs(seed: int = 0) -> dict:
    key = jax.random.key(seed)
    ks = jax.random.split(key, 8)
    B, N, C_in = 16, 1516, 64
    heads, dim_k, C_out, ch_raise = 8, 32, 256, 64
    dim_v = C_out // heads
    C_cat = C_in * 2 + dim_v  # 160
    def u(k, shape, fan):
        b = 1.0 / np.sqrt(fan)
        return jax.random.uniform(k, shape, minval=-b, maxval=b, dtype=jnp.float32)
    return {
        "xyz": jax.random.normal(ks[0], (B, N, 3), dtype=jnp.float32),
        "feature": jax.random.normal(ks[1], (B, N, C_in), dtype=jnp.float32),
        "W1": u(ks[2], (ch_raise, C_cat), C_cat),
        "W2": u(ks[3], (ch_raise, ch_raise), ch_raise),
        "Wv": u(ks[4], (dim_v, C_cat), C_cat),
        "Wk": u(ks[5], (dim_k, C_cat), C_cat),
        "Wq": u(ks[6], (heads * dim_k, ch_raise), ch_raise),
        "Wh": u(ks[7], (dim_v, 3), 3),
    }


def reference(xyz, feature, W1, W2, Wv, Wk, Wq, Wh):
    K, heads, d = 20, 8, 32
    B, N, _ = xyz.shape
    # knn_point: pairwise squared distances + topk smallest
    dist = -2.0 * jnp.einsum('bnc,bmc->bnm', xyz, xyz)
    sq = jnp.sum(xyz ** 2, axis=-1)
    dist = dist + sq[:, :, None] + sq[:, None, :]
    _, knn_idx = jax.lax.top_k(-dist, K)  # [B, N, K] nearest neighbors
    bidx = jnp.arange(B)[:, None, None]
    neighbor_xyz = xyz[bidx, knn_idx]        # [B, N, K, 3]
    grouped = feature[bidx, knn_idx]         # [B, N, K, C_in]
    grouped = jnp.transpose(grouped, (0, 3, 1, 2))        # [B, C_in, N, K]
    new_feature = jnp.transpose(feature, (0, 2, 1))        # [B, C_in, N]
    gpn = grouped - new_feature[:, :, :, None]
    rel = neighbor_xyz - xyz[:, :, None, :]
    rel = jnp.transpose(rel, (0, 3, 1, 2))                 # [B, 3, N, K]
    pos = jnp.einsum('vc,bcnk->bvnk', Wh, rel)             # mlp_h
    nf_tiled = jnp.broadcast_to(new_feature[:, :, :, None], (B, new_feature.shape[1], N, K))
    feat = jnp.concatenate([gpn, nf_tiled, pos], axis=1)   # [B, 160, N, K]
    # mlp: conv-bn-relu x2
    h = jnp.einsum('oc,bcnk->bonk', W1, feat)
    h = jax.nn.relu(_bn(h, (0, 2, 3)))
    h = jnp.einsum('oc,bcnk->bonk', W2, h)
    h = jax.nn.relu(_bn(h, (0, 2, 3)))
    feature_q = jnp.max(h, axis=-1)                        # [B, ch_raise, N]
    q = jnp.einsum('oc,bcn->bon', Wq, feature_q)
    q = jax.nn.relu(_bn(q, (0, 2)))                        # bn_query
    q = q.reshape(B, heads, d, N)
    feat2 = jnp.transpose(feat, (0, 2, 1, 3))              # [B, N, 160, K] (== view(B*1516, 160, K))
    value = jnp.einsum('vc,bnck->bnvk', Wv, feat2)
    value = _bn(value, (0, 1, 3))                          # bn_value over (B*N, K)
    keyk = jnp.einsum('dc,bnck->bndk', Wk, feat2)
    keyk = jax.nn.softmax(keyk, axis=-1)
    kva = jnp.einsum('bndk,bnvk->bdvn', keyk, value)
    out = jnp.einsum('bhdn,bdvn->bhvn', q, kva)
    out = out.reshape(B, -1, N)                            # [B, 256, N]
    return (xyz, out)

if __name__ == "__main__":
    import jax
    _d = setup_inputs()
    print(jax.jit(kernel)(*tuple(_d.values())))

</pallas_src>

<mosaic_0001>
#map = affine_map<(d0, d1) -> (0, 0)>
module attributes {stable_mosaic.version = 14 : i64} {
  func.func @k(%arg0: i32, %arg1: i32, %arg2: memref<24576x128xf32, #tpu.memory_space<hbm>>, %arg3: memref<3840x128xi32, #tpu.memory_space<hbm>>, %arg4: memref<491520x128xf32, #tpu.memory_space<hbm>>, %arg5: memref<128xi32, #tpu.memory_space<vmem>>, %arg6: memref<128xi32, #tpu.memory_space<vmem>>, %arg7: memref<128x128xf32, #tpu.memory_space<vmem>>, %arg8: memref<128x128xf32, #tpu.memory_space<vmem>>, %arg9: memref<!tpu.dma_semaphore, #tpu.memory_space<semaphore_mem>>, %arg10: memref<!tpu.dma_semaphore, #tpu.memory_space<semaphore_mem>>) attributes {dimension_semantics = [#tpu.dimension_semantics<core_parallel>, #tpu.dimension_semantics<subcore_parallel>], iteration_bounds = array<i64: 2, 16>, scalar_prefetch = 0 : i64, scratch_operands = 6 : i64, tpu.core_type = #tpu.core_type<sc_vector_subcore>, window_params = [{transform_indices = #map}, {transform_indices = #map}, {transform_indices = #map}]} {
    %mul3A = arith.constant 2 : i32
    %mul3A_0 = arith.muli %arg1, %mul3A : i32
    %add3A = arith.addi %mul3A_0, %arg0 : i32
    %mul3A_1 = arith.constant 120 : i32
    %mul3A_2 = arith.muli %add3A, %mul3A_1 : i32
    %mul3A_3 = arith.constant 15360 : i32
    %mul3A_4 = arith.muli %add3A, %mul3A_3 : i32
    %scan3A = arith.constant 0 : i32
    %scan3A_5 = arith.constant 0 : i32
    %scan3A_6 = arith.constant 60 : i32
    %scan3A_7 = arith.addi %scan3A_5, %scan3A_6 : i32
    %scan3A_8 = arith.constant 1 : i32
    scf.for %scan3A_10 = %scan3A_5 to %scan3A_7 step %scan3A_8  : i32 {
      %mul3A_11 = arith.constant 2 : i32
      %mul3A_12 = arith.muli %mul3A_11, %scan3A_10 : i32
      %mul3A_13 = arith.constant 2 : i32
      %mul3A_14 = arith.muli %mul3A_13, %scan3A_10 : i32
      %add3A_15 = arith.constant 1 : i32
      %add3A_16 = arith.addi %mul3A_14, %add3A_15 : i32
      %add3A_17 = arith.addi %mul3A_2, %mul3A_12 : i32
      "tpu.region"() ({
        %run_scoped3A = tpu.sem_alloc : memref<!tpu.dma_semaphore, #tpu.memory_space<semaphore_mem>>
        %dma_start3A_35 = arith.constant 0 : i32
        %dma_start3A_36 = tpu.memref_slice %arg3[%add3A_17, %dma_start3A_35] : memref<3840x128xi32, #tpu.memory_space<hbm>> -> memref<1x128xi32, #tpu.memory_space<hbm>>
        %dma_start3A_37 = tpu.memref_squeeze %dma_start3A_36 : memref<1x128xi32, #tpu.memory_space<hbm>> -> memref<128xi32, #tpu.memory_space<hbm>>
        %dma_start3A_38 = arith.constant 0 : i32
        %dma_start3A_39 = tpu.memref_slice %arg3[%add3A_17, %dma_start3A_38] : memref<3840x128xi32, #tpu.memory_space<hbm>> -> memref<1x128xi32, #tpu.memory_space<hbm>>
        %dma_start3A_40 = tpu.memref_squeeze %dma_start3A_39 : memref<1x128xi32, #tpu.memory_space<hbm>> -> memref<128xi32, #tpu.memory_space<hbm>>
        tpu.enqueue_dma source(%dma_start3A_40 : memref<128xi32, #tpu.memory_space<hbm>>) target(%arg5 : memref<128xi32, #tpu.memory_space<vmem>>) target_semaphore(%run_scoped3A : memref<!tpu.dma_semaphore, #tpu.memory_space<semaphore_mem>>)
        %dma_wait3A_41 = arith.constant 0 : i32
        %dma_wait3A_42 = tpu.memref_slice %arg3[%add3A_17, %dma_wait3A_41] : memref<3840x128xi32, #tpu.memory_space<hbm>> -> memref<1x128xi32, #tpu.memory_space<hbm>>
        %dma_wait3A_43 = tpu.memref_squeeze %dma_wait3A_42 : memref<1x128xi32, #tpu.memory_space<hbm>> -> memref<128xi32, #tpu.memory_space<hbm>>
        %dma_wait3A_44 = arith.constant 0 : i32
        %dma_wait3A_45 = tpu.memref_slice %arg3[%add3A_17, %dma_wait3A_44] : memref<3840x128xi32, #tpu.memory_space<hbm>> -> memref<1x128xi32, #tpu.memory_space<hbm>>
        %dma_wait3A_46 = tpu.memref_squeeze %dma_wait3A_45 : memref<1x128xi32, #tpu.memory_space<hbm>> -> memref<128xi32, #tpu.memory_space<hbm>>
        tpu.wait_dma2 semaphore(%run_scoped3A : memref<!tpu.dma_semaphore, #tpu.memory_space<semaphore_mem>>) src(%dma_wait3A_46 : memref<128xi32, #tpu.memory_space<hbm>>) dst(%arg5 : memref<128xi32, #tpu.memory_space<vmem>>)
        tpu.yield
      }) : () -> ()
      %dma_start3A = arith.constant 0 : i32
      %dma_start3A_18 = arith.constant 0 : i32
      %dma_start3A_19 = tpu.memref_slice %arg2[%dma_start3A, %dma_start3A_18] : memref<24576x128xf32, #tpu.memory_space<hbm>> -> memref<24576x128xf32, #tpu.memory_space<hbm>>
      tpu.enqueue_indirect_dma source(%dma_start3A_19 : memref<24576x128xf32, #tpu.memory_space<hbm>>) target(%arg7 : memref<128x128xf32, #tpu.memory_space<vmem>>) offsets(%arg5 : memref<128xi32, #tpu.memory_space<vmem>>) semaphore(%arg9 : memref<!tpu.dma_semaphore, #tpu.memory_space<semaphore_mem>>)
      %add3A_20 = arith.addi %mul3A_2, %add3A_16 : i32
      "tpu.region"() ({
        %run_scoped3A = tpu.sem_alloc : memref<!tpu.dma_semaphore, #tpu.memory_space<semaphore_mem>>
        %dma_start3A_35 = arith.constant 0 : i32
        %dma_start3A_36 = tpu.memref_slice %arg3[%add3A_20, %dma_start3A_35] : memref<3840x128xi32, #tpu.memory_space<hbm>> -> memref<1x128xi32, #tpu.memory_space<hbm>>
        %dma_start3A_37 = tpu.memref_squeeze %dma_start3A_36 : memref<1x128xi32, #tpu.memory_space<hbm>> -> memref<128xi32, #tpu.memory_space<hbm>>
        %dma_start3A_38 = arith.constant 0 : i32
        %dma_start3A_39 = tpu.memref_slice %arg3[%add3A_20, %dma_start3A_38] : memref<3840x128xi32, #tpu.memory_space<hbm>> -> memref<1x128xi32, #tpu.memory_space<hbm>>
        %dma_start3A_40 = tpu.memref_squeeze %dma_start3A_39 : memref<1x128xi32, #tpu.memory_space<hbm>> -> memref<128xi32, #tpu.memory_space<hbm>>
        tpu.enqueue_dma source(%dma_start3A_40 : memref<128xi32, #tpu.memory_space<hbm>>) target(%arg6 : memref<128xi32, #tpu.memory_space<vmem>>) target_semaphore(%run_scoped3A : memref<!tpu.dma_semaphore, #tpu.memory_space<semaphore_mem>>)
        %dma_wait3A_41 = arith.constant 0 : i32
        %dma_wait3A_42 = tpu.memref_slice %arg3[%add3A_20, %dma_wait3A_41] : memref<3840x128xi32, #tpu.memory_space<hbm>> -> memref<1x128xi32, #tpu.memory_space<hbm>>
        %dma_wait3A_43 = tpu.memref_squeeze %dma_wait3A_42 : memref<1x128xi32, #tpu.memory_space<hbm>> -> memref<128xi32, #tpu.memory_space<hbm>>
        %dma_wait3A_44 = arith.constant 0 : i32
        %dma_wait3A_45 = tpu.memref_slice %arg3[%add3A_20, %dma_wait3A_44] : memref<3840x128xi32, #tpu.memory_space<hbm>> -> memref<1x128xi32, #tpu.memory_space<hbm>>
        %dma_wait3A_46 = tpu.memref_squeeze %dma_wait3A_45 : memref<1x128xi32, #tpu.memory_space<hbm>> -> memref<128xi32, #tpu.memory_space<hbm>>
        tpu.wait_dma2 semaphore(%run_scoped3A : memref<!tpu.dma_semaphore, #tpu.memory_space<semaphore_mem>>) src(%dma_wait3A_46 : memref<128xi32, #tpu.memory_space<hbm>>) dst(%arg6 : memref<128xi32, #tpu.memory_space<vmem>>)
        tpu.yield
      }) : () -> ()
      %dma_start3A_21 = arith.constant 0 : i32
      %dma_start3A_22 = arith.constant 0 : i32
      %dma_start3A_23 = tpu.memref_slice %arg2[%dma_start3A_21, %dma_start3A_22] : memref<24576x128xf32, #tpu.memory_space<hbm>> -> memref<24576x128xf32, #tpu.memory_space<hbm>>
      tpu.enqueue_indirect_dma source(%dma_start3A_23 : memref<24576x128xf32, #tpu.memory_space<hbm>>) target(%arg8 : memref<128x128xf32, #tpu.memory_space<vmem>>) offsets(%arg6 : memref<128xi32, #tpu.memory_space<vmem>>) semaphore(%arg10 : memref<!tpu.dma_semaphore, #tpu.memory_space<semaphore_mem>>)
      %dma_wait3A = arith.constant 0 : i32
      %dma_wait3A_24 = arith.constant 0 : i32
      %dma_wait3A_25 = tpu.memref_slice %arg2[%dma_wait3A, %dma_wait3A_24] : memref<24576x128xf32, #tpu.memory_space<hbm>> -> memref<24576x128xf32, #tpu.memory_space<hbm>>
      tpu.wait_indirect_dma semaphore(%arg9 : memref<!tpu.dma_semaphore, #tpu.memory_space<semaphore_mem>>) src(%dma_wait3A_25 : memref<24576x128xf32, #tpu.memory_space<hbm>>) dst(%arg7 : memref<128x128xf32, #tpu.memory_space<vmem>>)
      %mul3A_26 = arith.constant 128 : i32
      %mul3A_27 = arith.muli %mul3A_12, %mul3A_26 : i32
      %add3A_28 = arith.addi %mul3A_4, %mul3A_27 : i32
      "tpu.region"() ({
        %run_scoped3A = tpu.sem_alloc : memref<!tpu.dma_semaphore, #tpu.memory_space<semaphore_mem>>
        %dma_start3A_35 = arith.constant 0 : i32
        %dma_start3A_36 = tpu.memref_slice %arg4[%add3A_28, %dma_start3A_35] : memref<491520x128xf32, #tpu.memory_space<hbm>> -> memref<128x128xf32, #tpu.memory_space<hbm>>
        %dma_start3A_37 = arith.constant 0 : i32
        %dma_start3A_38 = tpu.memref_slice %arg4[%add3A_28, %dma_start3A_37] : memref<491520x128xf32, #tpu.memory_space<hbm>> -> memref<128x128xf32, #tpu.memory_space<hbm>>
        tpu.enqueue_dma source(%arg7 : memref<128x128xf32, #tpu.memory_space<vmem>>) target(%dma_start3A_38 : memref<128x128xf32, #tpu.memory_space<hbm>>) target_semaphore(%run_scoped3A : memref<!tpu.dma_semaphore, #tpu.memory_space<semaphore_mem>>)
        %dma_wait3A_39 = arith.constant 0 : i32
        %dma_wait3A_40 = tpu.memref_slice %arg4[%add3A_28, %dma_wait3A_39] : memref<491520x128xf32, #tpu.memory_space<hbm>> -> memref<128x128xf32, #tpu.memory_space<hbm>>
        %dma_wait3A_41 = arith.constant 0 : i32
        %dma_wait3A_42 = tpu.memref_slice %arg4[%add3A_28, %dma_wait3A_41] : memref<491520x128xf32, #tpu.memory_space<hbm>> -> memref<128x128xf32, #tpu.memory_space<hbm>>
        tpu.wait_dma2 semaphore(%run_scoped3A : memref<!tpu.dma_semaphore, #tpu.memory_space<semaphore_mem>>) src(%arg7 : memref<128x128xf32, #tpu.memory_space<vmem>>) dst(%dma_wait3A_42 : memref<128x128xf32, #tpu.memory_space<hbm>>)
        tpu.yield
      }) : () -> ()
      %dma_wait3A_29 = arith.constant 0 : i32
      %dma_wait3A_30 = arith.constant 0 : i32
      %dma_wait3A_31 = tpu.memref_slice %arg2[%dma_wait3A_29, %dma_wait3A_30] : memref<24576x128xf32, #tpu.memory_space<hbm>> -> memref<24576x128xf32, #tpu.memory_space<hbm>>
      tpu.wait_indirect_dma semaphore(%arg10 : memref<!tpu.dma_semaphore, #tpu.memory_space<semaphore_mem>>) src(%dma_wait3A_31 : memref<24576x128xf32, #tpu.memory_space<hbm>>) dst(%arg8 : memref<128x128xf32, #tpu.memory_space<vmem>>)
      %mul3A_32 = arith.constant 128 : i32
      %mul3A_33 = arith.muli %add3A_16, %mul3A_32 : i32
      %add3A_34 = arith.addi %mul3A_4, %mul3A_33 : i32
      "tpu.region"() ({
        %run_scoped3A = tpu.sem_alloc : memref<!tpu.dma_semaphore, #tpu.memory_space<semaphore_mem>>
        %dma_start3A_35 = arith.constant 0 : i32
        %dma_start3A_36 = tpu.memref_slice %arg4[%add3A_34, %dma_start3A_35] : memref<491520x128xf32, #tpu.memory_space<hbm>> -> memref<128x128xf32, #tpu.memory_space<hbm>>
        %dma_start3A_37 = arith.constant 0 : i32
        %dma_start3A_38 = tpu.memref_slice %arg4[%add3A_34, %dma_start3A_37] : memref<491520x128xf32, #tpu.memory_space<hbm>> -> memref<128x128xf32, #tpu.memory_space<hbm>>
        tpu.enqueue_dma source(%arg8 : memref<128x128xf32, #tpu.memory_space<vmem>>) target(%dma_start3A_38 : memref<128x128xf32, #tpu.memory_space<hbm>>) target_semaphore(%run_scoped3A : memref<!tpu.dma_semaphore, #tpu.memory_space<semaphore_mem>>)
        %dma_wait3A_39 = arith.constant 0 : i32
        %dma_wait3A_40 = tpu.memref_slice %arg4[%add3A_34, %dma_wait3A_39] : memref<491520x128xf32, #tpu.memory_space<hbm>> -> memref<128x128xf32, #tpu.memory_space<hbm>>
        %dma_wait3A_41 = arith.constant 0 : i32
        %dma_wait3A_42 = tpu.memref_slice %arg4[%add3A_34, %dma_wait3A_41] : memref<491520x128xf32, #tpu.memory_space<hbm>> -> memref<128x128xf32, #tpu.memory_space<hbm>>
        tpu.wait_dma2 semaphore(%run_scoped3A : memref<!tpu.dma_semaphore, #tpu.memory_space<semaphore_mem>>) src(%arg8 : memref<128x128xf32, #tpu.memory_space<vmem>>) dst(%dma_wait3A_42 : memref<128x128xf32, #tpu.memory_space<hbm>>)
        tpu.yield
      }) : () -> ()
    }
    %scan3A_9 = arith.constant 60 : i32
    return
  }
}

module attributes {stable_mosaic.version = 14 : i64} {
  func.func @_knn_body(%arg0: i32, %arg1: i32, %arg2: memref<1x128x64xf32, #tpu.memory_space<vmem>>, %arg3: memref<1x128x3xf32, #tpu.memory_space<vmem>>, %arg4: memref<1x8x1536xf32, #tpu.memory_space<vmem>>, %arg5: memref<64x128xf32, #tpu.memory_space<vmem>>, %arg6: memref<64x128xf32, #tpu.memory_space<vmem>>, %arg7: memref<8x128xf32, #tpu.memory_space<vmem>>, %arg8: memref<1x128x128xf32, #tpu.memory_space<vmem>>, %arg9: memref<1x128x128xf32, #tpu.memory_space<vmem>>, %arg10: memref<1x128x20xi32, #tpu.memory_space<vmem>>) attributes {dimension_semantics = [#tpu.dimension_semantics<arbitrary>, #tpu.dimension_semantics<arbitrary>], iteration_bounds = array<i64: 16, 12>, scalar_prefetch = 0 : i64, scratch_operands = 0 : i64, tpu.core_type = #tpu.core_type<tc>, window_params = [{transform_indices = @transform_0, window_bounds = array<i64: 1, 128, 64>}, {transform_indices = @transform_1, window_bounds = array<i64: 1, 128, 3>}, {transform_indices = @transform_2, window_bounds = array<i64: 1, 8, 1536>}, {pipeline_mode = #tpu.pipeline_mode<synchronous>, transform_indices = @transform_3, window_bounds = array<i64: 64, 128>}, {pipeline_mode = #tpu.pipeline_mode<synchronous>, transform_indices = @transform_4, window_bounds = array<i64: 64, 128>}, {pipeline_mode = #tpu.pipeline_mode<synchronous>, transform_indices = @transform_5, window_bounds = array<i64: 8, 128>}, {transform_indices = @transform_6, window_bounds = array<i64: 1, 128, 128>}, {transform_indices = @transform_7, window_bounds = array<i64: 1, 128, 128>}, {transform_indices = @transform_8, window_bounds = array<i64: 1, 128, 20>}]} {
    %get3A = arith.constant 0 : index
    %get3A_0 = arith.constant 0 : index
    %get3A_1 = arith.constant 0 : index
    %get3A_2 = vector.load %arg2[%get3A, %get3A_0, %get3A_1] : memref<1x128x64xf32, #tpu.memory_space<vmem>>, vector<1x128x64xf32>
    %get3A_3 = vector.shape_cast %get3A_2 : vector<1x128x64xf32> to vector<128x64xf32>
    %get3A_4 = arith.constant 0 : index
    %get3A_5 = arith.constant 0 : index
    %get3A_6 = arith.constant 0 : index
    %get3A_7 = vector.load %arg3[%get3A_4, %get3A_5, %get3A_6] : memref<1x128x3xf32, #tpu.memory_space<vmem>>, vector<1x128x3xf32>
    %get3A_8 = vector.shape_cast %get3A_7 : vector<1x128x3xf32> to vector<128x3xf32>
    %slice3A = vector.extract_strided_slice %get3A_8 {offsets = [0, 0], sizes = [128, 1], strides = [1, 1]} : vector<128x3xf32> to vector<128x1xf32>
    %slice3A_9 = vector.extract_strided_slice %get3A_8 {offsets = [0, 1], sizes = [128, 1], strides = [1, 1]} : vector<128x3xf32> to vector<128x1xf32>
    %slice3A_10 = vector.extract_strided_slice %get3A_8 {offsets = [0, 2], sizes = [128, 1], strides = [1, 1]} : vector<128x3xf32> to vector<128x1xf32>
    %get3A_11 = arith.constant 0 : index
    %get3A_12 = arith.constant 0 : index
    %get3A_13 = vector.load %arg7[%get3A_11, %get3A_12] : memref<8x128xf32, #tpu.memory_space<vmem>>, vector<1x128xf32>
    %mul3A = vector.broadcast %slice3A : vector<128x1xf32> to vector<128x128xf32>
    %mul3A_14 = vector.broadcast %get3A_13 : vector<1x128xf32> to vector<128x128xf32>
    %mul3A_15 = arith.mulf %mul3A, %mul3A_14 : vector<128x128xf32>
    %get3A_16 = arith.constant 1 : index
    %get3A_17 = arith.constant 0 : index
    %get3A_18 = vector.load %arg7[%get3A_16, %get3A_17] : memref<8x128xf32, #tpu.memory_space<vmem>>, vector<1x128xf32>
    %mul3A_19 = vector.broadcast %slice3A_9 : vector<128x1xf32> to vector<128x128xf32>
    %mul3A_20 = vector.broadcast %get3A_18 : vector<1x128xf32> to vector<128x128xf32>
    %mul3A_21 = arith.mulf %mul3A_19, %mul3A_20 : vector<128x128xf32>
    %add3A = arith.addf %mul3A_15, %mul3A_21 : vector<128x128xf32>
    %get3A_22 = arith.constant 2 : index
    %get3A_23 = arith.constant 0 : index
    %get3A_24 = vector.load %arg7[%get3A_22, %get3A_23] : memref<8x128xf32, #tpu.memory_space<vmem>>, vector<1x128xf32>
    %mul3A_25 = vector.broadcast %slice3A_10 : vector<128x1xf32> to vector<128x128xf32>
    %mul3A_26 = vector.broadcast %get3A_24 : vector<1x128xf32> to vector<128x128xf32>
    %mul3A_27 = arith.mulf %mul3A_25, %mul3A_26 : vector<128x128xf32>
    %add3A_28 = arith.addf %add3A, %mul3A_27 : vector<128x128xf32>
    %get3A_29 = arith.constant 0 : index
    %get3A_30 = arith.constant 0 : index
    %get3A_31 = vector.load %arg5[%get3A_29, %get3A_30] : memref<64x128xf32, #tpu.memory_space<vmem>>, vector<64x128xf32>
    %dot_general3A = arith.constant dense<0.000000e+00> : vector<128x128xf32>
    %dot_general3A_32 = tpu.matmul %get3A_3, %get3A_31, %dot_general3A {dimension_numbers = #tpu.dot_dimension_numbers<[1], [0], [0], [1], [0, 0, 1, 1], [], []>, transpose_lhs_hint = false} : vector<128x64xf32>, vector<64x128xf32>, vector<128x128xf32> -> vector<128x128xf32>
    %add3A_33 = arith.addf %dot_general3A_32, %add3A_28 : vector<128x128xf32>
    %swap3A = arith.constant 0 : index
    %swap3A_34 = arith.constant 0 : index
    %swap3A_35 = arith.constant 0 : index
    %swap3A_36 = vector.load %arg8[%swap3A, %swap3A_34, %swap3A_35] : memref<1x128x128xf32, #tpu.memory_space<vmem>>, vector<1x128x128xf32>
    %swap3A_37 = vector.shape_cast %swap3A_36 : vector<1x128x128xf32> to vector<128x128xf32>
    %swap3A_38 = vector.shape_cast %add3A_33 : vector<128x128xf32> to vector<1x128x128xf32>
    tpu.vector_store %arg8[%swap3A, %swap3A_34, %swap3A_35], %swap3A_38 {strides = array<i32>} : memref<1x128x128xf32, #tpu.memory_space<vmem>>, vector<1x128x128xf32>,
    %get3A_39 = arith.constant 0 : index
    %get3A_40 = arith.constant 0 : index
    %get3A_41 = vector.load %arg6[%get3A_39, %get3A_40] : memref<64x128xf32, #tpu.memory_space<vmem>>, vector<64x128xf32>
    %dot_general3A_42 = arith.constant dense<0.000000e+00> : vector<128x128xf32>
    %dot_general3A_43 = tpu.matmul %get3A_3, %get3A_41, %dot_general3A_42 {dimension_numbers = #tpu.dot_dimension_numbers<[1], [0], [0], [1], [0, 0, 1, 1], [], []>, transpose_lhs_hint = false} : vector<128x64xf32>, vector<64x128xf32>, vector<128x128xf32> -> vector<128x128xf32>
    %sub3A = arith.subf %dot_general3A_43, %add3A_28 : vector<128x128xf32>
    %swap3A_44 = arith.constant 0 : index
    %swap3A_45 = arith.constant 0 : index
    %swap3A_46 = arith.constant 0 : index
    %swap3A_47 = vector.load %arg9[%swap3A_44, %swap3A_45, %swap3A_46] : memref<1x128x128xf32, #tpu.memory_space<vmem>>, vector<1x128x128xf32>
    %swap3A_48 = vector.shape_cast %swap3A_47 : vector<1x128x128xf32> to vector<128x128xf32>
    %swap3A_49 = vector.shape_cast %sub3A : vector<128x128xf32> to vector<1x128x128xf32>
    tpu.vector_store %arg9[%swap3A_44, %swap3A_45, %swap3A_46], %swap3A_49 {strides = array<i32>} : memref<1x128x128xf32, #tpu.memory_space<vmem>>, vector<1x128x128xf32>,
    %get3A_50 = arith.constant 0 : index
    %get3A_51 = arith.constant 0 : index
    %get3A_52 = arith.constant 0 : index
    %get3A_53 = vector.load %arg4[%get3A_50, %get3A_51, %get3A_52] : memref<1x8x1536xf32, #tpu.memory_space<vmem>>, vector<1x8x1536xf32>
    %get3A_54 = vector.shape_cast %get3A_53 : vector<1x8x1536xf32> to vector<8x1536xf32>
    %slice3A_55 = vector.extract_strided_slice %get3A_54 {offsets = [0, 0], sizes = [1, 1536], strides = [1, 1]} : vector<8x1536xf32> to vector<1x1536xf32>
    %slice3A_56 = vector.extract_strided_slice %get3A_54 {offsets = [1, 0], sizes = [1, 1536], strides = [1, 1]} : vector<8x1536xf32> to vector<1x1536xf32>
    %slice3A_57 = vector.extract_strided_slice %get3A_54 {offsets = [2, 0], sizes = [1, 1536], strides = [1, 1]} : vector<8x1536xf32> to vector<1x1536xf32>
    %convert_element_type3A = arith.truncf %slice3A : vector<128x1xf32> to vector<128x1xbf16>
    %convert_element_type3A_58 = arith.extf %convert_element_type3A : vector<128x1xbf16> to vector<128x1xf32>
    %convert_element_type3A_59 = arith.truncf %slice3A_55 : vector<1x1536xf32> to vector<1x1536xbf16>
    %convert_element_type3A_60 = arith.extf %convert_element_type3A_59 : vector<1x1536xbf16> to vector<1x1536xf32>
    %mul3A_61 = vector.broadcast %convert_element_type3A_58 : vector<128x1xf32> to vector<128x1536xf32>
    %mul3A_62 = vector.broadcast %convert_element_type3A_60 : vector<1x1536xf32> to vector<128x1536xf32>
    %mul3A_63 = arith.mulf %mul3A_61, %mul3A_62 : vector<128x1536xf32>
    %convert_element_type3A_64 = arith.truncf %slice3A_9 : vector<128x1xf32> to vector<128x1xbf16>
    %convert_element_type3A_65 = arith.extf %convert_element_type3A_64 : vector<128x1xbf16> to vector<128x1xf32>
    %convert_element_type3A_66 = arith.truncf %slice3A_56 : vector<1x1536xf32> to vector<1x1536xbf16>
    %convert_element_type3A_67 = arith.extf %convert_element_type3A_66 : vector<1x1536xbf16> to vector<1x1536xf32>
    %mul3A_68 = vector.broadcast %convert_element_type3A_65 : vector<128x1xf32> to vector<128x1536xf32>
    %mul3A_69 = vector.broadcast %convert_element_type3A_67 : vector<1x1536xf32> to vector<128x1536xf32>
    %mul3A_70 = arith.mulf %mul3A_68, %mul3A_69 : vector<128x1536xf32>
    %add3A_71 = arith.addf %mul3A_63, %mul3A_70 : vector<128x1536xf32>
    %convert_element_type3A_72 = arith.truncf %slice3A_10 : vector<128x1xf32> to vector<128x1xbf16>
    %convert_element_type3A_73 = arith.extf %convert_element_type3A_72 : vector<128x1xbf16> to vector<128x1xf32>
    %convert_element_type3A_74 = arith.truncf %slice3A_57 : vector<1x1536xf32> to vector<1x1536xbf16>
    %convert_element_type3A_75 = arith.extf %convert_element_type3A_74 : vector<1x1536xbf16> to vector<1x1536xf32>
    %mul3A_76 = vector.broadcast %convert_element_type3A_73 : vector<128x1xf32> to vector<128x1536xf32>
    %mul3A_77 = vector.broadcast %convert_element_type3A_75 : vector<1x1536xf32> to vector<128x1536xf32>
    %mul3A_78 = arith.mulf %mul3A_76, %mul3A_77 : vector<128x1536xf32>
    %add3A_79 = arith.addf %add3A_71, %mul3A_78 : vector<128x1536xf32>
    %mul3A_80 = arith.mulf %slice3A, %slice3A : vector<128x1xf32>
    %mul3A_81 = arith.mulf %slice3A_9, %slice3A_9 : vector<128x1xf32>
    %add3A_82 = arith.addf %mul3A_80, %mul3A_81 : vector<128x1xf32>
    %mul3A_83 = arith.mulf %slice3A_10, %slice3A_10 : vector<128x1xf32>
    %add3A_84 = arith.addf %add3A_82, %mul3A_83 : vector<128x1xf32>
    %mul3A_85 = arith.mulf %slice3A_55, %slice3A_55 : vector<1x1536xf32>
    %mul3A_86 = arith.mulf %slice3A_56, %slice3A_56 : vector<1x1536xf32>
    %add3A_87 = arith.addf %mul3A_85, %mul3A_86 : vector<1x1536xf32>
    %mul3A_88 = arith.mulf %slice3A_57, %slice3A_57 : vector<1x1536xf32>
    %add3A_89 = arith.addf %add3A_87, %mul3A_88 : vector<1x1536xf32>
    %mul3A_90 = arith.constant -2.000000e+00 : f32
    %mul3A_91 = vector.broadcast %mul3A_90 : f32 to vector<128x1536xf32>
    %mul3A_92 = arith.mulf %mul3A_91, %add3A_79 : vector<128x1536xf32>
    %add3A_93 = vector.broadcast %add3A_84 : vector<128x1xf32> to vector<128x1536xf32>
    %add3A_94 = arith.addf %mul3A_92, %add3A_93 : vector<128x1536xf32>
    %add3A_95 = vector.broadcast %add3A_89 : vector<1x1536xf32> to vector<128x1536xf32>
    %add3A_96 = arith.addf %add3A_94, %add3A_95 : vector<128x1536xf32>
    %iota3A = tpu.iota {dimensions = array<i32: 1>} : vector<128x1536xi32>
    %lt3A = arith.constant 1516 : i32
    %lt3A_97 = vector.broadcast %lt3A : i32 to vector<128x1536xi32>
    %lt3A_98 = arith.cmpi slt, %iota3A, %lt3A_97 : vector<128x1536xi32>
    %jit3A = arith.constant 1.000000e+30 : f32
    %broadcast_in_dim3A = vector.broadcast %jit3A : f32 to vector<128x1536xf32>
    %select_n3A = arith.select %lt3A_98, %add3A_96, %broadcast_in_dim3A : vector<128x1536xi1>, vector<128x1536xf32>
    %argmin3A = tpu.reduce_index %select_n3A {axis = 1 : i32, kind = #tpu.reduction_kind<arg_min>} : vector<128x1536xf32> -> vector<128xi32>
    %broadcast_in_dim3A_99 = vector.shape_cast %argmin3A : vector<128xi32> to vector<128x1xi32>
    %eq3A = vector.broadcast %broadcast_in_dim3A_99 : vector<128x1xi32> to vector<128x1536xi32>
    %eq3A_100 = arith.cmpi eq, %iota3A, %eq3A : vector<128x1536xi32>
    %jit3A_101 = arith.constant 1.000000e+30 : f32
    %broadcast_in_dim3A_102 = vector.broadcast %jit3A_101 : f32 to vector<128x1536xf32>
    %select_n3A_103 = arith.select %eq3A_100, %broadcast_in_dim3A_102, %select_n3A : vector<128x1536xi1>, vector<128x1536xf32>
    %argmin3A_104 = tpu.reduce_index %select_n3A_103 {axis = 1 : i32, kind = #tpu.reduction_kind<arg_min>} : vector<128x1536xf32> -> vector<128xi32>
    %broadcast_in_dim3A_105 = vector.shape_cast %argmin3A_104 : vector<128xi32> to vector<128x1xi32>
    %eq3A_106 = vector.broadcast %broadcast_in_dim3A_105 : vector<128x1xi32> to vector<128x1536xi32>
    %eq3A_107 = arith.cmpi eq, %iota3A, %eq3A_106 : vector<128x1536xi32>
    %jit3A_108 = arith.constant 1.000000e+30 : f32
    %broadcast_in_dim3A_109 = vector.broadcast %jit3A_108 : f32 to vector<128x1536xf32>
    %select_n3A_110 = arith.select %eq3A_107, %broadcast_in_dim3A_109, %select_n3A_103 : vector<128x1536xi1>, vector<128x1536xf32>
    %argmin3A_111 = tpu.reduce_index %select_n3A_110 {axis = 1 : i32, kind = #tpu.reduction_kind<arg_min>} : vector<128x1536xf32> -> vector<128xi32>
    %broadcast_in_dim3A_112 = vector.shape_cast %argmin3A_111 : vector<128xi32> to vector<128x1xi32>
    %eq3A_113 = vector.broadcast %broadcast_in_dim3A_112 : vector<128x1xi32> to vector<128x1536xi32>
    %eq3A_114 = arith.cmpi eq, %iota3A, %eq3A_113 : vector<128x1536xi32>
    %jit3A_115 = arith.constant 1.000000e+30 : f32
    %broadcast_in_dim3A_116 = vector.broadcast %jit3A_115 : f32 to vector<128x1536xf32>
    %select_n3A_117 = arith.select %eq3A_114, %broadcast_in_dim3A_116, %select_n3A_110 : vector<128x1536xi1>, vector<128x1536xf32>
    %argmin3A_118 = tpu.reduce_index %select_n3A_117 {axis = 1 : i32, kind = #tpu.reduction_kind<arg_min>} : vector<128x1536xf32> -> vector<128xi32>
    %broadcast_in_dim3A_119 = vector.shape_cast %argmin3A_118 : vector<128xi32> to vector<128x1xi32>
    %eq3A_120 = vector.broadcast %broadcast_in_dim3A_119 : vector<128x1xi32> to vector<128x1536xi32>
    %eq3A_121 = arith.cmpi eq, %iota3A, %eq3A_120 : vector<128x1536xi32>
    %jit3A_122 = arith.constant 1.000000e+30 : f32
    %broadcast_in_dim3A_123 = vector.broadcast %jit3A_122 : f32 to vector<128x1536xf32>
    %select_n3A_124 = arith.select %eq3A_121, %broadcast_in_dim3A_123, %select_n3A_117 : vector<128x1536xi1>, vector<128x1536xf32>
    %argmin3A_125 = tpu.reduce_index %select_n3A_124 {axis = 1 : i32, kind = #tpu.reduction_kind<arg_min>} : vector<128x1536xf32> -> vector<128xi32>
    %broadcast_in_dim3A_126 = vector.shape_cast %argmin3A_125 : vector<128xi32> to vector<128x1xi32>
    %eq3A_127 = vector.broadcast %broadcast_in_dim3A_126 : vector<128x1xi32> to vector<128x1536xi32>
    %eq3A_128 = arith.cmpi eq, %iota3A, %eq3A_127 : vector<128x1536xi32>
    %jit3A_129 = arith.constant 1.000000e+30 : f32
    %broadcast_in_dim3A_130 = vector.broadcast %jit3A_129 : f32 to vector<128x1536xf32>
    %select_n3A_131 = arith.select %eq3A_128, %broadcast_in_dim3A_130, %select_n3A_124 : vector<128x1536xi1>, vector<128x1536xf32>
    %argmin3A_132 = tpu.reduce_index %select_n3A_131 {axis = 1 : i32, kind = #tpu.reduction_kind<arg_min>} : vector<128x1536xf32> -> vector<128xi32>
    %broadcast_in_dim3A_133 = vector.shape_cast %argmin3A_132 : vector<128xi32> to vector<128x1xi32>
    %eq3A_134 = vector.broadcast %broadcast_in_dim3A_133 : vector<128x1xi32> to vector<128x1536xi32>
    %eq3A_135 = arith.cmpi eq, %iota3A, %eq3A_134 : vector<128x1536xi32>
    %jit3A_136 = arith.constant 1.000000e+30 : f32
    %broadcast_in_dim3A_137 = vector.broadcast %jit3A_136 : f32 to vector<128x1536xf32>
    %select_n3A_138 = arith.select %eq3A_135, %broadcast_in_dim3A_137, %select_n3A_131 : vector<128x1536xi1>, vector<128x1536xf32>
    %argmin3A_139 = tpu.reduce_index %select_n3A_138 {axis = 1 : i32, kind = #tpu.reduction_kind<arg_min>} : vector<128x1536xf32> -> vector<128xi32>
    %broadcast_in_dim3A_140 = vector.shape_cast %argmin3A_139 : vector<128xi32> to vector<128x1xi32>
    %eq3A_141 = vector.broadcast %broadcast_in_dim3A_140 : vector<128x1xi32> to vector<128x1536xi32>
    %eq3A_142 = arith.cmpi eq, %iota3A, %eq3A_141 : vector<128x1536xi32>
    %jit3A_143 = arith.constant 1.000000e+30 : f32
    %broadcast_in_dim3A_144 = vector.broadcast %jit3A_143 : f32 to vector<128x1536xf32>
    %select_n3A_145 = arith.select %eq3A_142, %broadcast_in_dim3A_144, %select_n3A_138 : vector<128x1536xi1>, vector<128x1536xf32>
    %argmin3A_146 = tpu.reduce_index %select_n3A_145 {axis = 1 : i32, kind = #tpu.reduction_kind<arg_min>} : vector<128x1536xf32> -> vector<128xi32>
    %broadcast_in_dim3A_147 = vector.shape_cast %argmin3A_146 : vector<128xi32> to vector<128x1xi32>
    %eq3A_148 = vector.broadcast %broadcast_in_dim3A_147 : vector<128x1xi32> to vector<128x1536xi32>
    %eq3A_149 = arith.cmpi eq, %iota3A, %eq3A_148 : vector<128x1536xi32>
    %jit3A_150 = arith.constant 1.000000e+30 : f32
    %broadcast_in_dim3A_151 = vector.broadcast %jit3A_150 : f32 to vector<128x1536xf32>
    %select_n3A_152 = arith.select %eq3A_149, %broadcast_in_dim3A_151, %select_n3A_145 : vector<128x1536xi1>, vector<128x1536xf32>
    %argmin3A_153 = tpu.reduce_index %select_n3A_152 {axis = 1 : i32, kind = #tpu.reduction_kind<arg_min>} : vector<128x1536xf32> -> vector<128xi32>
    %broadcast_in_dim3A_154 = vector.shape_cast %argmin3A_153 : vector<128xi32> to vector<128x1xi32>
    %eq3A_155 = vector.broadcast %broadcast_in_dim3A_154 : vector<128x1xi32> to vector<128x1536xi32>
    %eq3A_156 = arith.cmpi eq, %iota3A, %eq3A_155 : vector<128x1536xi32>
    %jit3A_157 = arith.constant 1.000000e+30 : f32
    %broadcast_in_dim3A_158 = vector.broadcast %jit3A_157 : f32 to vector<128x1536xf32>
    %select_n3A_159 = arith.select %eq3A_156, %broadcast_in_dim3A_158, %select_n3A_152 : vector<128x1536xi1>, vector<128x1536xf32>
    %argmin3A_160 = tpu.reduce_index %select_n3A_159 {axis = 1 : i32, kind = #tpu.reduction_kind<arg_min>} : vector<128x1536xf32> -> vector<128xi32>
    %broadcast_in_dim3A_161 = vector.shape_cast %argmin3A_160 : vector<128xi32> to vector<128x1xi32>
    %eq3A_162 = vector.broadcast %broadcast_in_dim3A_161 : vector<128x1xi32> to vector<128x1536xi32>
    %eq3A_163 = arith.cmpi eq, %iota3A, %eq3A_162 : vector<128x1536xi32>
    %jit3A_164 = arith.constant 1.000000e+30 : f32
    %broadcast_in_dim3A_165 = vector.broadcast %jit3A_164 : f32 to vector<128x1536xf32>
    %select_n3A_166 = arith.select %eq3A_163, %broadcast_in_dim3A_165, %select_n3A_159 : vector<128x1536xi1>, vector<128x1536xf32>
    %argmin3A_167 = tpu.reduce_index %select_n3A_166 {axis = 1 : i32, kind = #tpu.reduction_kind<arg_min>} : vector<128x1536xf32> -> vector<128xi32>
    %broadcast_in_dim3A_168 = vector.shape_cast %argmin3A_167 : vector<128xi32> to vector<128x1xi32>
    %eq3A_169 = vector.broadcast %broadcast_in_dim3A_168 : vector<128x1xi32> to vector<128x1536xi32>
    %eq3A_170 = arith.cmpi eq, %iota3A, %eq3A_169 : vector<128x1536xi32>
    %jit3A_171 = arith.constant 1.000000e+30 : f32
    %broadcast_in_dim3A_172 = vector.broadcast %jit3A_171 : f32 to vector<128x1536xf32>
    %select_n3A_173 = arith.select %eq3A_170, %broadcast_in_dim3A_172, %select_n3A_166 : vector<128x1536xi1>, vector<128x1536xf32>
    %argmin3A_174 = tpu.reduce_index %select_n3A_173 {axis = 1 : i32, kind = #tpu.reduction_kind<arg_min>} : vector<128x1536xf32> -> vector<128xi32>
    %broadcast_in_dim3A_175 = vector.shape_cast %argmin3A_174 : vector<128xi32> to vector<128x1xi32>
    %eq3A_176 = vector.broadcast %broadcast_in_dim3A_175 : vector<128x1xi32> to vector<128x1536xi32>
    %eq3A_177 = arith.cmpi eq, %iota3A, %eq3A_176 : vector<128x1536xi32>
    %jit3A_178 = arith.constant 1.000000e+30 : f32
    %broadcast_in_dim3A_179 = vector.broadcast %jit3A_178 : f32 to vector<128x1536xf32>
    %select_n3A_180 = arith.select %eq3A_177, %broadcast_in_dim3A_179, %select_n3A_173 : vector<128x1536xi1>, vector<128x1536xf32>
    %argmin3A_181 = tpu.reduce_index %select_n3A_180 {axis = 1 : i32, kind = #tpu.reduction_kind<arg_min>} : vector<128x1536xf32> -> vector<128xi32>
    %broadcast_in_dim3A_182 = vector.shape_cast %argmin3A_181 : vector<128xi32> to vector<128x1xi32>
    %eq3A_183 = vector.broadcast %broadcast_in_dim3A_182 : vector<128x1xi32> to vector<128x1536xi32>
    %eq3A_184 = arith.cmpi eq, %iota3A, %eq3A_183 : vector<128x1536xi32>
    %jit3A_185 = arith.constant 1.000000e+30 : f32
    %broadcast_in_dim3A_186 = vector.broadcast %jit3A_185 : f32 to vector<128x1536xf32>
    %select_n3A_187 = arith.select %eq3A_184, %broadcast_in_dim3A_186, %select_n3A_180 : vector<128x1536xi1>, vector<128x1536xf32>
    %argmin3A_188 = tpu.reduce_index %select_n3A_187 {axis = 1 : i32, kind = #tpu.reduction_kind<arg_min>} : vector<128x1536xf32> -> vector<128xi32>
    %broadcast_in_dim3A_189 = vector.shape_cast %argmin3A_188 : vector<128xi32> to vector<128x1xi32>
    %eq3A_190 = vector.broadcast %broadcast_in_dim3A_189 : vector<128x1xi32> to vector<128x1536xi32>
    %eq3A_191 = arith.cmpi eq, %iota3A, %eq3A_190 : vector<128x1536xi32>
    %jit3A_192 = arith.constant 1.000000e+30 : f32
    %broadcast_in_dim3A_193 = vector.broadcast %jit3A_192 : f32 to vector<128x1536xf32>
    %select_n3A_194 = arith.select %eq3A_191, %broadcast_in_dim3A_193, %select_n3A_187 : vector<128x1536xi1>, vector<128x1536xf32>
    %argmin3A_195 = tpu.reduce_index %select_n3A_194 {axis = 1 : i32, kind = #tpu.reduction_kind<arg_min>} : vector<128x1536xf32> -> vector<128xi32>
    %broadcast_in_dim3A_196 = vector.shape_cast %argmin3A_195 : vector<128xi32> to vector<128x1xi32>
    %eq3A_197 = vector.broadcast %broadcast_in_dim3A_196 : vector<128x1xi32> to vector<128x1536xi32>
    %eq3A_198 = arith.cmpi eq, %iota3A, %eq3A_197 : vector<128x1536xi32>
    %jit3A_199 = arith.constant 1.000000e+30 : f32
    %broadcast_in_dim3A_200 = vector.broadcast %jit3A_199 : f32 to vector<128x1536xf32>
    %select_n3A_201 = arith.select %eq3A_198, %broadcast_in_dim3A_200, %select_n3A_194 : vector<128x1536xi1>, vector<128x1536xf32>
    %argmin3A_202 = tpu.reduce_index %select_n3A_201 {axis = 1 : i32, kind = #tpu.reduction_kind<arg_min>} : vector<128x1536xf32> -> vector<128xi32>
    %broadcast_in_dim3A_203 = vector.shape_cast %argmin3A_202 : vector<128xi32> to vector<128x1xi32>
    %eq3A_204 = vector.broadcast %broadcast_in_dim3A_203 : vector<128x1xi32> to vector<128x1536xi32>
    %eq3A_205 = arith.cmpi eq, %iota3A, %eq3A_204 : vector<128x1536xi32>
    %jit3A_206 = arith.constant 1.000000e+30 : f32
    %broadcast_in_dim3A_207 = vector.broadcast %jit3A_206 : f32 to vector<128x1536xf32>
    %select_n3A_208 = arith.select %eq3A_205, %broadcast_in_dim3A_207, %select_n3A_201 : vector<128x1536xi1>, vector<128x1536xf32>
    %argmin3A_209 = tpu.reduce_index %select_n3A_208 {axis = 1 : i32, kind = #tpu.reduction_kind<arg_min>} : vector<128x1536xf32> -> vector<128xi32>
    %broadcast_in_dim3A_210 = vector.shape_cast %argmin3A_209 : vector<128xi32> to vector<128x1xi32>
    %eq3A_211 = vector.broadcast %broadcast_in_dim3A_210 : vector<128x1xi32> to vector<128x1536xi32>
    %eq3A_212 = arith.cmpi eq, %iota3A, %eq3A_211 : vector<128x1536xi32>
    %jit3A_213 = arith.constant 1.000000e+30 : f32
    %broadcast_in_dim3A_214 = vector.broadcast %jit3A_213 : f32 to vector<128x1536xf32>
    %select_n3A_215 = arith.select %eq3A_212, %broadcast_in_dim3A_214, %select_n3A_208 : vector<128x1536xi1>, vector<128x1536xf32>
    %argmin3A_216 = tpu.reduce_index %select_n3A_215 {axis = 1 : i32, kind = #tpu.reduction_kind<arg_min>} : vector<128x1536xf32> -> vector<128xi32>
    %broadcast_in_dim3A_217 = vector.shape_cast %argmin3A_216 : vector<128xi32> to vector<128x1xi32>
    %eq3A_218 = vector.broadcast %broadcast_in_dim3A_217 : vector<128x1xi32> to vector<128x1536xi32>
    %eq3A_219 = arith.cmpi eq, %iota3A, %eq3A_218 : vector<128x1536xi32>
    %jit3A_220 = arith.constant 1.000000e+30 : f32
    %broadcast_in_dim3A_221 = vector.broadcast %jit3A_220 : f32 to vector<128x1536xf32>
    %select_n3A_222 = arith.select %eq3A_219, %broadcast_in_dim3A_221, %select_n3A_215 : vector<128x1536xi1>, vector<128x1536xf32>
    %argmin3A_223 = tpu.reduce_index %select_n3A_222 {axis = 1 : i32, kind = #tpu.reduction_kind<arg_min>} : vector<128x1536xf32> -> vector<128xi32>
    %broadcast_in_dim3A_224 = vector.shape_cast %argmin3A_223 : vector<128xi32> to vector<128x1xi32>
    %eq3A_225 = vector.broadcast %broadcast_in_dim3A_224 : vector<128x1xi32> to vector<128x1536xi32>
    %eq3A_226 = arith.cmpi eq, %iota3A, %eq3A_225 : vector<128x1536xi32>
    %jit3A_227 = arith.constant 1.000000e+30 : f32
    %broadcast_in_dim3A_228 = vector.broadcast %jit3A_227 : f32 to vector<128x1536xf32>
    %select_n3A_229 = arith.select %eq3A_226, %broadcast_in_dim3A_228, %select_n3A_222 : vector<128x1536xi1>, vector<128x1536xf32>
    %argmin3A_230 = tpu.reduce_index %select_n3A_229 {axis = 1 : i32, kind = #tpu.reduction_kind<arg_min>} : vector<128x1536xf32> -> vector<128xi32>
    %broadcast_in_dim3A_231 = vector.shape_cast %argmin3A_230 : vector<128xi32> to vector<128x1xi32>
    %concatenate3A = tpu.concatenate %broadcast_in_dim3A_99, %broadcast_in_dim3A_105, %broadcast_in_dim3A_112, %broadcast_in_dim3A_119, %broadcast_in_dim3A_126, %broadcast_in_dim3A_133, %broadcast_in_dim3A_140, %broadcast_in_dim3A_147, %broadcast_in_dim3A_154, %broadcast_in_dim3A_161, %broadcast_in_dim3A_168, %broadcast_in_dim3A_175, %broadcast_in_dim3A_182, %broadcast_in_dim3A_189, %broadcast_in_dim3A_196, %broadcast_in_dim3A_203, %broadcast_in_dim3A_210, %broadcast_in_dim3A_217, %broadcast_in_dim3A_224, %broadcast_in_dim3A_231 in 1 : vector<128x1xi32>, vector<128x1xi32>, vector<128x1xi32>, vector<128x1xi32>, vector<128x1xi32>, vector<128x1xi32>, vector<128x1xi32>, vector<128x1xi32>, vector<128x1xi32>, vector<128x1xi32>, vector<128x1xi32>, vector<128x1xi32>, vector<128x1xi32>, vector<128x1xi32>, vector<128x1xi32>, vector<128x1xi32>, vector<128x1xi32>, vector<128x1xi32>, vector<128x1xi32>, vector<128x1xi32> -> vector<128x20xi32>
    %max3A = arith.constant 0 : i32
    %max3A_232 = vector.broadcast %max3A : i32 to vector<128x20xi32>
    %max3A_233 = arith.maxsi %concatenate3A, %max3A_232 : vector<128x20xi32>
    %min3A = arith.constant 1515 : i32
    %min3A_234 = vector.broadcast %min3A : i32 to vector<128x20xi32>
    %min3A_235 = arith.minsi %max3A_233, %min3A_234 : vector<128x20xi32>
    %mul3A_236 = arith.constant 1536 : i32
    %mul3A_237 = arith.muli %arg0, %mul3A_236 : i32
    %add3A_238 = vector.broadcast %mul3A_237 : i32 to vector<128x20xi32>
    %add3A_239 = arith.addi %min3A_235, %add3A_238 : vector<128x20xi32>
    %swap3A_240 = arith.constant 0 : index
    %swap3A_241 = arith.constant 0 : index
    %swap3A_242 = arith.constant 0 : index
    %swap3A_243 = vector.load %arg10[%swap3A_240, %swap3A_241, %swap3A_242] : memref<1x128x20xi32, #tpu.memory_space<vmem>>, vector<1x128x20xi32>
    %swap3A_244 = vector.shape_cast %swap3A_243 : vector<1x128x20xi32> to vector<128x20xi32>
    %swap3A_245 = vector.shape_cast %add3A_239 : vector<128x20xi32> to vector<1x128x20xi32>
    tpu.vector_store %arg10[%swap3A_240, %swap3A_241, %swap3A_242], %swap3A_245 {strides = array<i32>} : memref<1x128x20xi32, #tpu.memory_space<vmem>>, vector<1x128x20xi32>,
    return
  }
  func.func @transform_0(%arg0: i32, %arg1: i32) -> (i32, i32, i32) {
    %c0_i32 = arith.constant 0 : i32
    %c0_i32_0 = arith.constant 0 : i32
    return %arg0, %arg1, %c0_i32 : i32, i32, i32
  }
  func.func @transform_1(%arg0: i32, %arg1: i32) -> (i32, i32, i32) {
    %c0_i32 = arith.constant 0 : i32
    %c0_i32_0 = arith.constant 0 : i32
    return %arg0, %arg1, %c0_i32 : i32, i32, i32
  }
  func.func @transform_2(%arg0: i32, %arg1: i32) -> (i32, i32, i32) {
    %c0_i32 = arith.constant 0 : i32
    %c0_i32_0 = arith.constant 0 : i32
    %c0_i32_1 = arith.constant 0 : i32
    return %arg0, %c0_i32, %c0_i32_0 : i32, i32, i32
  }
  func.func @transform_3(%arg0: i32, %arg1: i32) -> (i32, i32) {
    %c0_i32 = arith.constant 0 : i32
    %c0_i32_0 = arith.constant 0 : i32
    %c0_i32_1 = arith.constant 0 : i32
    return %c0_i32, %c0_i32_0 : i32, i32
  }
  func.func @transform_4(%arg0: i32, %arg1: i32) -> (i32, i32) {
    %c0_i32 = arith.constant 0 : i32
    %c0_i32_0 = arith.constant 0 : i32
    %c0_i32_1 = arith.constant 0 : i32
    return %c0_i32, %c0_i32_0 : i32, i32
  }
  func.func @transform_5(%arg0: i32, %arg1: i32) -> (i32, i32) {
    %c0_i32 = arith.constant 0 : i32
    %c0_i32_0 = arith.constant 0 : i32
    %c0_i32_1 = arith.constant 0 : i32
    return %c0_i32, %c0_i32_0 : i32, i32
  }
  func.func @transform_6(%arg0: i32, %arg1: i32) -> (i32, i32, i32) {
    %c0_i32 = arith.constant 0 : i32
    %c0_i32_0 = arith.constant 0 : i32
    return %arg0, %arg1, %c0_i32 : i32, i32, i32
  }
  func.func @transform_7(%arg0: i32, %arg1: i32) -> (i32, i32, i32) {
    %c0_i32 = arith.constant 0 : i32
    %c0_i32_0 = arith.constant 0 : i32
    return %arg0, %arg1, %c0_i32 : i32, i32, i32
  }
  func.func @transform_8(%arg0: i32, %arg1: i32) -> (i32, i32, i32) {
    %c0_i32 = arith.constant 0 : i32
    %c0_i32_0 = arith.constant 0 : i32
    return %arg0, %arg1, %c0_i32 : i32, i32, i32
  }
}

module attributes {stable_mosaic.version = 14 : i64} {
  func.func @_passa_body(%arg0: i32, %arg1: i32, %arg2: memref<1x128x20x128xf32, #tpu.memory_space<vmem>>, %arg3: memref<1x128x128xf32, #tpu.memory_space<vmem>>, %arg4: memref<8x128xf32, #tpu.memory_space<vmem>>, %arg5: memref<1x128x20x64xf32, #tpu.memory_space<vmem>>, %arg6: memref<1x128x32x32xf32, #tpu.memory_space<vmem>>) attributes {dimension_semantics = [#tpu.dimension_semantics<arbitrary>, #tpu.dimension_semantics<arbitrary>], iteration_bounds = array<i64: 16, 12>, scalar_prefetch = 0 : i64, scratch_operands = 0 : i64, tpu.core_type = #tpu.core_type<tc>, window_params = [{transform_indices = @transform_0, window_bounds = array<i64: 1, 128, 20, 128>}, {transform_indices = @transform_1, window_bounds = array<i64: 1, 128, 128>}, {pipeline_mode = #tpu.pipeline_mode<synchronous>, transform_indices = @transform_2, window_bounds = array<i64: 8, 128>}, {transform_indices = @transform_3, window_bounds = array<i64: 1, 128, 20, 64>}, {transform_indices = @transform_4, window_bounds = array<i64: 1, 128, 32, 32>}]} {
    %eq3A = arith.constant 0 : i32
    %eq3A_0 = arith.cmpi eq, %arg0, %eq3A : i32
    %eq3A_1 = arith.constant 0 : i32
    %eq3A_2 = arith.cmpi eq, %arg1, %eq3A_1 : i32
    %and3A = arith.andi %eq3A_0, %eq3A_2 : i1
    %convert_element_type3A = arith.extui %and3A : i1 to i32
    %cond3A = arith.constant 0 : i32
    %cond3A_3 = arith.cmpi ne, %convert_element_type3A, %cond3A : i32
    scf.if %cond3A_3 {
      %broadcast_in_dim3A_71 = arith.constant 0.000000e+00 : f32
      %broadcast_in_dim3A_72 = vector.broadcast %broadcast_in_dim3A_71 : f32 to vector<8x128xf32>
      %swap3A_73 = arith.constant 0 : index
      %swap3A_74 = arith.constant 0 : index
      %swap3A_75 = vector.load %arg4[%swap3A_73, %swap3A_74] : memref<8x128xf32, #tpu.memory_space<vmem>>, vector<8x128xf32>
      tpu.vector_store %arg4[%swap3A_73, %swap3A_74], %broadcast_in_dim3A_72 {strides = array<i32>} : memref<8x128xf32, #tpu.memory_space<vmem>>, vector<8x128xf32>,
    } else {
    }
    %get3A = arith.constant 0 : index
    %get3A_4 = arith.constant 0 : index
    %get3A_5 = arith.constant 0 : index
    %get3A_6 = arith.constant 0 : index
    %get3A_7 = vector.load %arg2[%get3A, %get3A_4, %get3A_5, %get3A_6] : memref<1x128x20x128xf32, #tpu.memory_space<vmem>>, vector<1x128x20x128xf32>
    %get3A_8 = vector.shape_cast %get3A_7 : vector<1x128x20x128xf32> to vector<128x20x128xf32>
    %get3A_9 = arith.constant 0 : index
    %get3A_10 = arith.constant 0 : index
    %get3A_11 = arith.constant 0 : index
    %get3A_12 = vector.load %arg3[%get3A_9, %get3A_10, %get3A_11] : memref<1x128x128xf32, #tpu.memory_space<vmem>>, vector<1x128x128xf32>
    %get3A_13 = vector.shape_cast %get3A_12 : vector<1x128x128xf32> to vector<128x128xf32>
    %broadcast_in_dim3A = vector.shape_cast %get3A_13 : vector<128x128xf32> to vector<128x1x128xf32>
    %add3A = vector.broadcast %broadcast_in_dim3A : vector<128x1x128xf32> to vector<128x20x128xf32>
    %add3A_14 = arith.addf %get3A_8, %add3A : vector<128x20x128xf32>
    %slice3A = vector.extract_strided_slice %add3A_14 {offsets = [0, 0, 0], sizes = [128, 20, 64], strides = [1, 1, 1]} : vector<128x20x128xf32> to vector<128x20x64xf32>
    %swap3A = arith.constant 0 : index
    %swap3A_15 = arith.constant 0 : index
    %swap3A_16 = arith.constant 0 : index
    %swap3A_17 = arith.constant 0 : index
    %swap3A_18 = vector.load %arg5[%swap3A, %swap3A_15, %swap3A_16, %swap3A_17] : memref<1x128x20x64xf32, #tpu.memory_space<vmem>>, vector<1x128x20x64xf32>
    %swap3A_19 = vector.shape_cast %swap3A_18 : vector<1x128x20x64xf32> to vector<128x20x64xf32>
    %swap3A_20 = vector.shape_cast %slice3A : vector<128x20x64xf32> to vector<1x128x20x64xf32>
    tpu.vector_store %arg5[%swap3A, %swap3A_15, %swap3A_16, %swap3A_17], %swap3A_20 {strides = array<i32>} : memref<1x128x20x64xf32, #tpu.memory_space<vmem>>, vector<1x128x20x64xf32>,
    %mul3A = arith.constant 128 : i32
    %mul3A_21 = arith.muli %arg1, %mul3A : i32
    %iota3A = tpu.iota {dimensions = array<i32: 0>} : vector<128x1x1xi32>
    %add3A_22 = vector.broadcast %mul3A_21 : i32 to vector<128x1x1xi32>
    %add3A_23 = arith.addi %add3A_22, %iota3A : vector<128x1x1xi32>
    %lt3A = arith.constant 1516 : i32
    %lt3A_24 = vector.broadcast %lt3A : i32 to vector<128x1x1xi32>
    %lt3A_25 = arith.cmpi slt, %add3A_23, %lt3A_24 : vector<128x1x1xi32>
    %jit3A = arith.constant 0.000000e+00 : f32
    %broadcast_in_dim3A_26 = vector.shape_cast %lt3A_25 : vector<128x1x1xi1> to vector<128x1x1xi1>
    %broadcast_in_dim3A_27 = vector.broadcast %broadcast_in_dim3A_26 : vector<128x1x1xi1> to vector<128x20x128xi1>
    %broadcast_in_dim3A_28 = vector.broadcast %jit3A : f32 to vector<128x20x128xf32>
    %select_n3A = arith.select %broadcast_in_dim3A_27, %add3A_14, %broadcast_in_dim3A_28 : vector<128x20x128xi1>, vector<128x20x128xf32>
    %mul3A_29 = arith.mulf %add3A_14, %add3A_14 : vector<128x20x128xf32>
    %jit3A_30 = arith.constant 0.000000e+00 : f32
    %broadcast_in_dim3A_31 = vector.shape_cast %lt3A_25 : vector<128x1x1xi1> to vector<128x1x1xi1>
    %broadcast_in_dim3A_32 = vector.broadcast %broadcast_in_dim3A_31 : vector<128x1x1xi1> to vector<128x20x128xi1>
    %broadcast_in_dim3A_33 = vector.broadcast %jit3A_30 : f32 to vector<128x20x128xf32>
    %select_n3A_34 = arith.select %broadcast_in_dim3A_32, %mul3A_29, %broadcast_in_dim3A_33 : vector<128x20x128xi1>, vector<128x20x128xf32>
    %get3A_35 = arith.constant 0 : index
    %get3A_36 = arith.constant 0 : index
    %get3A_37 = vector.load %arg4[%get3A_35, %get3A_36] : memref<8x128xf32, #tpu.memory_space<vmem>>, vector<1x128xf32>
    %reduce_sum3A = arith.constant dense<0.000000e+00> : vector<128xf32>
    %reduce_sum3A_38 = vector.multi_reduction <add>, %select_n3A, %reduce_sum3A [0, 1] : vector<128x20x128xf32> to vector<128xf32>
    %broadcast_in_dim3A_39 = vector.shape_cast %reduce_sum3A_38 : vector<128xf32> to vector<1x128xf32>
    %add3A_40 = arith.addf %get3A_37, %broadcast_in_dim3A_39 : vector<1x128xf32>
    %swap3A_41 = arith.constant 0 : index
    %swap3A_42 = arith.constant 0 : index
    %swap3A_43 = vector.load %arg4[%swap3A_41, %swap3A_42] : memref<8x128xf32, #tpu.memory_space<vmem>>, vector<1x128xf32>
    tpu.vector_store %arg4[%swap3A_41, %swap3A_42], %add3A_40 {strides = array<i32>} : memref<8x128xf32, #tpu.memory_space<vmem>>, vector<1x128xf32>,
    %get3A_44 = arith.constant 1 : index
    %get3A_45 = arith.constant 0 : index
    %get3A_46 = vector.load %arg4[%get3A_44, %get3A_45] : memref<8x128xf32, #tpu.memory_space<vmem>>, vector<1x128xf32>
    %reduce_sum3A_47 = arith.constant dense<0.000000e+00> : vector<128xf32>
    %reduce_sum3A_48 = vector.multi_reduction <add>, %select_n3A_34, %reduce_sum3A_47 [0, 1] : vector<128x20x128xf32> to vector<128xf32>
    %broadcast_in_dim3A_49 = vector.shape_cast %reduce_sum3A_48 : vector<128xf32> to vector<1x128xf32>
    %add3A_50 = arith.addf %get3A_46, %broadcast_in_dim3A_49 : vector<1x128xf32>
    %swap3A_51 = arith.constant 1 : index
    %swap3A_52 = arith.constant 0 : index
    %swap3A_53 = vector.load %arg4[%swap3A_51, %swap3A_52] : memref<8x128xf32, #tpu.memory_space<vmem>>, vector<1x128xf32>
    tpu.vector_store %arg4[%swap3A_51, %swap3A_52], %add3A_50 {strides = array<i32>} : memref<8x128xf32, #tpu.memory_space<vmem>>, vector<1x128xf32>,
    %slice3A_54 = vector.extract_strided_slice %add3A_14 {offsets = [0, 0, 96], sizes = [128, 20, 32], strides = [1, 1, 1]} : vector<128x20x128xf32> to vector<128x20x32xf32>
    %slice3A_55 = vector.extract_strided_slice %add3A_14 {offsets = [0, 0, 64], sizes = [128, 20, 32], strides = [1, 1, 1]} : vector<128x20x128xf32> to vector<128x20x32xf32>
    %reduce_max3A = arith.constant dense<0xFF800000> : vector<128x32xf32>
    %reduce_max3A_56 = vector.multi_reduction <maximumf>, %slice3A_54, %reduce_max3A [1] : vector<128x20x32xf32> to vector<128x32xf32>
    %broadcast_in_dim3A_57 = vector.shape_cast %reduce_max3A_56 : vector<128x32xf32> to vector<128x1x32xf32>
    %sub3A = vector.broadcast %broadcast_in_dim3A_57 : vector<128x1x32xf32> to vector<128x20x32xf32>
    %sub3A_58 = arith.subf %slice3A_54, %sub3A : vector<128x20x32xf32>
    %exp3A = math.exp %sub3A_58 : vector<128x20x32xf32>
    %reduce_sum3A_59 = arith.constant dense<0.000000e+00> : vector<128x32xf32>
    %reduce_sum3A_60 = vector.multi_reduction <add>, %exp3A, %reduce_sum3A_59 [1] : vector<128x20x32xf32> to vector<128x32xf32>
    %broadcast_in_dim3A_61 = vector.shape_cast %reduce_sum3A_60 : vector<128x32xf32> to vector<128x1x32xf32>
    %div3A = vector.broadcast %broadcast_in_dim3A_61 : vector<128x1x32xf32> to vector<128x20x32xf32>
    %div3A_62 = arith.divf %exp3A, %div3A : vector<128x20x32xf32>
    %dot_general3A = arith.constant dense<0.000000e+00> : vector<128x32x32xf32>
    %dot_general3A_63 = tpu.matmul %div3A_62, %slice3A_55, %dot_general3A {dimension_numbers = #tpu.dot_dimension_numbers<[1], [1], [2], [2], [0, 0, 0, 2, 1, 2], [0], [0]>, transpose_lhs_hint = false} : vector<128x20x32xf32>, vector<128x20x32xf32>, vector<128x32x32xf32> -> vector<128x32x32xf32>
    %swap3A_64 = arith.constant 0 : index
    %swap3A_65 = arith.constant 0 : index
    %swap3A_66 = arith.constant 0 : index
    %swap3A_67 = arith.constant 0 : index
    %swap3A_68 = vector.load %arg6[%swap3A_64, %swap3A_65, %swap3A_66, %swap3A_67] : memref<1x128x32x32xf32, #tpu.memory_space<vmem>>, vector<1x128x32x32xf32>
    %swap3A_69 = vector.shape_cast %swap3A_68 : vector<1x128x32x32xf32> to vector<128x32x32xf32>
    %swap3A_70 = vector.shape_cast %dot_general3A_63 : vector<128x32x32xf32> to vector<1x128x32x32xf32>
    tpu.vector_store %arg6[%swap3A_64, %swap3A_65, %swap3A_66, %swap3A_67], %swap3A_70 {strides = array<i32>} : memref<1x128x32x32xf32, #tpu.memory_space<vmem>>, vector<1x128x32x32xf32>,
    return
  }
  func.func @transform_0(%arg0: i32, %arg1: i32) -> (i32, i32, i32, i32) {
    %c0_i32 = arith.constant 0 : i32
    %c0_i32_0 = arith.constant 0 : i32
    %c0_i32_1 = arith.constant 0 : i32
    return %arg0, %arg1, %c0_i32, %c0_i32_0 : i32, i32, i32, i32
  }
  func.func @transform_1(%arg0: i32, %arg1: i32) -> (i32, i32, i32) {
    %c0_i32 = arith.constant 0 : i32
    %c0_i32_0 = arith.constant 0 : i32
    return %arg0, %arg1, %c0_i32 : i32, i32, i32
  }
  func.func @transform_2(%arg0: i32, %arg1: i32) -> (i32, i32) {
    %c0_i32 = arith.constant 0 : i32
    %c0_i32_0 = arith.constant 0 : i32
    %c0_i32_1 = arith.constant 0 : i32
    return %c0_i32, %c0_i32_0 : i32, i32
  }
  func.func @transform_3(%arg0: i32, %arg1: i32) -> (i32, i32, i32, i32) {
    %c0_i32 = arith.constant 0 : i32
    %c0_i32_0 = arith.constant 0 : i32
    %c0_i32_1 = arith.constant 0 : i32
    return %arg0, %arg1, %c0_i32, %c0_i32_0 : i32, i32, i32, i32
  }
  func.func @transform_4(%arg0: i32, %arg1: i32) -> (i32, i32, i32, i32) {
    %c0_i32 = arith.constant 0 : i32
    %c0_i32_0 = arith.constant 0 : i32
    %c0_i32_1 = arith.constant 0 : i32
    return %arg0, %arg1, %c0_i32, %c0_i32_0 : i32, i32, i32, i32
  }
}

module attributes {stable_mosaic.version = 14 : i64} {
  func.func @_passb_body(%arg0: i32, %arg1: i32, %arg2: memref<1x128x20x64xf32, #tpu.memory_space<vmem>>, %arg3: memref<8x128xf32, #tpu.memory_space<vmem>>, %arg4: memref<64x64xf32, #tpu.memory_space<vmem>>, %arg5: memref<1x128x64xf32, #tpu.memory_space<vmem>>, %arg6: memref<8x128xf32, #tpu.memory_space<vmem>>) attributes {dimension_semantics = [#tpu.dimension_semantics<arbitrary>, #tpu.dimension_semantics<arbitrary>], iteration_bounds = array<i64: 16, 12>, scalar_prefetch = 0 : i64, scratch_operands = 0 : i64, tpu.core_type = #tpu.core_type<tc>, window_params = [{transform_indices = @transform_0, window_bounds = array<i64: 1, 128, 20, 64>}, {pipeline_mode = #tpu.pipeline_mode<synchronous>, transform_indices = @transform_1, window_bounds = array<i64: 8, 128>}, {pipeline_mode = #tpu.pipeline_mode<synchronous>, transform_indices = @transform_2, window_bounds = array<i64: 64, 64>}, {transform_indices = @transform_3, window_bounds = array<i64: 1, 128, 64>}, {pipeline_mode = #tpu.pipeline_mode<synchronous>, transform_indices = @transform_4, window_bounds = array<i64: 8, 128>}]} {
    %eq3A = arith.constant 0 : i32
    %eq3A_0 = arith.cmpi eq, %arg0, %eq3A : i32
    %eq3A_1 = arith.constant 0 : i32
    %eq3A_2 = arith.cmpi eq, %arg1, %eq3A_1 : i32
    %and3A = arith.andi %eq3A_0, %eq3A_2 : i1
    %convert_element_type3A = arith.extui %and3A : i1 to i32
    %cond3A = arith.constant 0 : i32
    %cond3A_3 = arith.cmpi ne, %convert_element_type3A, %cond3A : i32
    scf.if %cond3A_3 {
      %broadcast_in_dim3A_100 = arith.constant 0.000000e+00 : f32
      %broadcast_in_dim3A_101 = vector.broadcast %broadcast_in_dim3A_100 : f32 to vector<8x128xf32>
      %swap3A_102 = arith.constant 0 : index
      %swap3A_103 = arith.constant 0 : index
      %swap3A_104 = vector.load %arg6[%swap3A_102, %swap3A_103] : memref<8x128xf32, #tpu.memory_space<vmem>>, vector<8x128xf32>
      tpu.vector_store %arg6[%swap3A_102, %swap3A_103], %broadcast_in_dim3A_101 {strides = array<i32>} : memref<8x128xf32, #tpu.memory_space<vmem>>, vector<8x128xf32>,
    } else {
    }
    %get3A = arith.constant 0 : index
    %get3A_4 = arith.constant 0 : index
    %get3A_5 = vector.load %arg3[%get3A, %get3A_4] : memref<8x128xf32, #tpu.memory_space<vmem>>, vector<1x64xf32>
    %div3A = arith.constant 4.851200e+05 : f32
    %div3A_6 = vector.broadcast %div3A : f32 to vector<1x64xf32>
    %div3A_7 = arith.divf %get3A_5, %div3A_6 : vector<1x64xf32>
    %get3A_8 = arith.constant 1 : index
    %get3A_9 = arith.constant 0 : index
    %get3A_10 = vector.load %arg3[%get3A_8, %get3A_9] : memref<8x128xf32, #tpu.memory_space<vmem>>, vector<1x64xf32>
    %div3A_11 = arith.constant 4.851200e+05 : f32
    %div3A_12 = vector.broadcast %div3A_11 : f32 to vector<1x64xf32>
    %div3A_13 = arith.divf %get3A_10, %div3A_12 : vector<1x64xf32>
    %mul3A = arith.mulf %div3A_7, %div3A_7 : vector<1x64xf32>
    %sub3A = arith.subf %div3A_13, %mul3A : vector<1x64xf32>
    %add3A = arith.constant 9.99999974E-6 : f32
    %add3A_14 = vector.broadcast %add3A : f32 to vector<1x64xf32>
    %add3A_15 = arith.addf %sub3A, %add3A_14 : vector<1x64xf32>
    %rsqrt3A = math.rsqrt %add3A_15 : vector<1x64xf32>
    %get3A_16 = arith.constant 0 : index
    %get3A_17 = arith.constant 0 : index
    %get3A_18 = arith.constant 0 : index
    %get3A_19 = arith.constant 0 : index
    %get3A_20 = vector.load %arg2[%get3A_16, %get3A_17, %get3A_18, %get3A_19] : memref<1x128x20x64xf32, #tpu.memory_space<vmem>>, vector<1x128x20x64xf32>
    %get3A_21 = vector.shape_cast %get3A_20 : vector<1x128x20x64xf32> to vector<128x20x64xf32>
    %reshape3A = vector.shape_cast %get3A_21 : vector<128x20x64xf32> to vector<2560x64xf32>
    %sub3A_22 = vector.broadcast %div3A_7 : vector<1x64xf32> to vector<2560x64xf32>
    %sub3A_23 = arith.subf %reshape3A, %sub3A_22 : vector<2560x64xf32>
    %mul3A_24 = vector.broadcast %rsqrt3A : vector<1x64xf32> to vector<2560x64xf32>
    %mul3A_25 = arith.mulf %sub3A_23, %mul3A_24 : vector<2560x64xf32>
    %max3A = arith.constant 0.000000e+00 : f32
    %max3A_26 = vector.broadcast %max3A : f32 to vector<2560x64xf32>
    %max3A_27 = arith.maximumf %mul3A_25, %max3A_26 : vector<2560x64xf32>
    %get3A_28 = arith.constant 0 : index
    %get3A_29 = arith.constant 0 : index
    %get3A_30 = vector.load %arg4[%get3A_28, %get3A_29] : memref<64x64xf32, #tpu.memory_space<vmem>>, vector<64x64xf32>
    %dot_general3A = arith.constant dense<0.000000e+00> : vector<2560x64xf32>
    %dot_general3A_31 = tpu.matmul %max3A_27, %get3A_30, %dot_general3A {dimension_numbers = #tpu.dot_dimension_numbers<[1], [0], [0], [1], [0, 0, 1, 1], [], []>, transpose_lhs_hint = false} : vector<2560x64xf32>, vector<64x64xf32>, vector<2560x64xf32> -> vector<2560x64xf32>
    %reshape3A_32 = vector.shape_cast %dot_general3A_31 : vector<2560x64xf32> to vector<128x20x64xf32>
    %reduce_max3A = arith.constant dense<0xFF800000> : vector<128x64xf32>
    %reduce_max3A_33 = vector.multi_reduction <maximumf>, %reshape3A_32, %reduce_max3A [1] : vector<128x20x64xf32> to vector<128x64xf32>
    %swap3A = arith.constant 0 : index
    %swap3A_34 = arith.constant 0 : index
    %swap3A_35 = arith.constant 0 : index
    %swap3A_36 = vector.load %arg5[%swap3A, %swap3A_34, %swap3A_35] : memref<1x128x64xf32, #tpu.memory_space<vmem>>, vector<1x128x64xf32>
    %swap3A_37 = vector.shape_cast %swap3A_36 : vector<1x128x64xf32> to vector<128x64xf32>
    %swap3A_38 = vector.shape_cast %reduce_max3A_33 : vector<128x64xf32> to vector<1x128x64xf32>
    tpu.vector_store %arg5[%swap3A, %swap3A_34, %swap3A_35], %swap3A_38 {strides = array<i32>} : memref<1x128x64xf32, #tpu.memory_space<vmem>>, vector<1x128x64xf32>,
    %mul3A_39 = arith.constant 128 : i32
    %mul3A_40 = arith.muli %arg1, %mul3A_39 : i32
    %iota3A = tpu.iota {dimensions = array<i32: 0>} : vector<2560x1xi32>
    %jit3A = arith.constant 20 : i32
    %div3A_41 = vector.broadcast %jit3A : i32 to vector<2560x1xi32>
    %div3A_42 = arith.divsi %iota3A, %div3A_41 : vector<2560x1xi32>
    %sign3A = arith.constant 0 : i32
    %sign3A_43 = vector.broadcast %sign3A : i32 to vector<2560x1xi32>
    %sign3A_44 = arith.cmpi sgt, %iota3A, %sign3A_43 : vector<2560x1xi32>
    %sign3A_45 = arith.extui %sign3A_44 : vector<2560x1xi1> to vector<2560x1xi32>
    %sign3A_46 = arith.constant 0 : i32
    %sign3A_47 = vector.broadcast %sign3A_46 : i32 to vector<2560x1xi32>
    %sign3A_48 = arith.cmpi slt, %iota3A, %sign3A_47 : vector<2560x1xi32>
    %sign3A_49 = arith.extui %sign3A_48 : vector<2560x1xi1> to vector<2560x1xi32>
    %sign3A_50 = arith.subi %sign3A_45, %sign3A_49 : vector<2560x1xi32>
    %sign3A_51 = arith.constant 0 : i32
    %sign3A_52 = arith.cmpi sgt, %jit3A, %sign3A_51 : i32
    %sign3A_53 = arith.extui %sign3A_52 : i1 to i32
    %sign3A_54 = arith.constant 0 : i32
    %sign3A_55 = arith.cmpi slt, %jit3A, %sign3A_54 : i32
    %sign3A_56 = arith.extui %sign3A_55 : i1 to i32
    %sign3A_57 = arith.subi %sign3A_53, %sign3A_56 : i32
    %ne3A = vector.broadcast %sign3A_57 : i32 to vector<2560x1xi32>
    %ne3A_58 = arith.cmpi ne, %sign3A_50, %ne3A : vector<2560x1xi32>
    %rem3A = vector.broadcast %jit3A : i32 to vector<2560x1xi32>
    %rem3A_59 = arith.remsi %iota3A, %rem3A : vector<2560x1xi32>
    %ne3A_60 = arith.constant 0 : i32
    %ne3A_61 = vector.broadcast %ne3A_60 : i32 to vector<2560x1xi32>
    %ne3A_62 = arith.cmpi ne, %rem3A_59, %ne3A_61 : vector<2560x1xi32>
    %and3A_63 = arith.andi %ne3A_58, %ne3A_62 : vector<2560x1xi1>
    %sub3A_64 = arith.constant 1 : i32
    %sub3A_65 = vector.broadcast %sub3A_64 : i32 to vector<2560x1xi32>
    %sub3A_66 = arith.subi %div3A_42, %sub3A_65 : vector<2560x1xi32>
    %select_n3A = arith.select %and3A_63, %sub3A_66, %div3A_42 : vector<2560x1xi1>, vector<2560x1xi32>
    %add3A_67 = vector.broadcast %mul3A_40 : i32 to vector<2560x1xi32>
    %add3A_68 = arith.addi %add3A_67, %select_n3A : vector<2560x1xi32>
    %lt3A = arith.constant 1516 : i32
    %lt3A_69 = vector.broadcast %lt3A : i32 to vector<2560x1xi32>
    %lt3A_70 = arith.cmpi slt, %add3A_68, %lt3A_69 : vector<2560x1xi32>
    %jit3A_71 = arith.constant 0.000000e+00 : f32
    %broadcast_in_dim3A = vector.shape_cast %lt3A_70 : vector<2560x1xi1> to vector<2560x1xi1>
    %broadcast_in_dim3A_72 = vector.broadcast %broadcast_in_dim3A : vector<2560x1xi1> to vector<2560x64xi1>
    %broadcast_in_dim3A_73 = vector.broadcast %jit3A_71 : f32 to vector<2560x64xf32>
    %select_n3A_74 = arith.select %broadcast_in_dim3A_72, %dot_general3A_31, %broadcast_in_dim3A_73 : vector<2560x64xi1>, vector<2560x64xf32>
    %mul3A_75 = arith.mulf %dot_general3A_31, %dot_general3A_31 : vector<2560x64xf32>
    %jit3A_76 = arith.constant 0.000000e+00 : f32
    %broadcast_in_dim3A_77 = vector.shape_cast %lt3A_70 : vector<2560x1xi1> to vector<2560x1xi1>
    %broadcast_in_dim3A_78 = vector.broadcast %broadcast_in_dim3A_77 : vector<2560x1xi1> to vector<2560x64xi1>
    %broadcast_in_dim3A_79 = vector.broadcast %jit3A_76 : f32 to vector<2560x64xf32>
    %select_n3A_80 = arith.select %broadcast_in_dim3A_78, %mul3A_75, %broadcast_in_dim3A_79 : vector<2560x64xi1>, vector<2560x64xf32>
    %get3A_81 = arith.constant 0 : index
    %get3A_82 = arith.constant 0 : index
    %get3A_83 = vector.load %arg6[%get3A_81, %get3A_82] : memref<8x128xf32, #tpu.memory_space<vmem>>, vector<1x64xf32>
    %reduce_sum3A = arith.constant dense<0.000000e+00> : vector<64xf32>
    %reduce_sum3A_84 = vector.multi_reduction <add>, %select_n3A_74, %reduce_sum3A [0] : vector<2560x64xf32> to vector<64xf32>
    %broadcast_in_dim3A_85 = vector.shape_cast %reduce_sum3A_84 : vector<64xf32> to vector<1x64xf32>
    %add3A_86 = arith.addf %get3A_83, %broadcast_in_dim3A_85 : vector<1x64xf32>
    %swap3A_87 = arith.constant 0 : index
    %swap3A_88 = arith.constant 0 : index
    %swap3A_89 = vector.load %arg6[%swap3A_87, %swap3A_88] : memref<8x128xf32, #tpu.memory_space<vmem>>, vector<1x64xf32>
    tpu.vector_store %arg6[%swap3A_87, %swap3A_88], %add3A_86 {strides = array<i32>} : memref<8x128xf32, #tpu.memory_space<vmem>>, vector<1x64xf32>,
    %get3A_90 = arith.constant 1 : index
    %get3A_91 = arith.constant 0 : index
    %get3A_92 = vector.load %arg6[%get3A_90, %get3A_91] : memref<8x128xf32, #tpu.memory_space<vmem>>, vector<1x64xf32>
    %reduce_sum3A_93 = arith.constant dense<0.000000e+00> : vector<64xf32>
    %reduce_sum3A_94 = vector.multi_reduction <add>, %select_n3A_80, %reduce_sum3A_93 [0] : vector<2560x64xf32> to vector<64xf32>
    %broadcast_in_dim3A_95 = vector.shape_cast %reduce_sum3A_94 : vector<64xf32> to vector<1x64xf32>
    %add3A_96 = arith.addf %get3A_92, %broadcast_in_dim3A_95 : vector<1x64xf32>
    %swap3A_97 = arith.constant 1 : index
    %swap3A_98 = arith.constant 0 : index
    %swap3A_99 = vector.load %arg6[%swap3A_97, %swap3A_98] : memref<8x128xf32, #tpu.memory_space<vmem>>, vector<1x64xf32>
    tpu.vector_store %arg6[%swap3A_97, %swap3A_98], %add3A_96 {strides = array<i32>} : memref<8x128xf32, #tpu.memory_space<vmem>>, vector<1x64xf32>,
    return
  }
  func.func @transform_0(%arg0: i32, %arg1: i32) -> (i32, i32, i32, i32) {
    %c0_i32 = arith.constant 0 : i32
    %c0_i32_0 = arith.constant 0 : i32
    %c0_i32_1 = arith.constant 0 : i32
    return %arg0, %arg1, %c0_i32, %c0_i32_0 : i32, i32, i32, i32
  }
  func.func @transform_1(%arg0: i32, %arg1: i32) -> (i32, i32) {
    %c0_i32 = arith.constant 0 : i32
    %c0_i32_0 = arith.constant 0 : i32
    %c0_i32_1 = arith.constant 0 : i32
    return %c0_i32, %c0_i32_0 : i32, i32
  }
  func.func @transform_2(%arg0: i32, %arg1: i32) -> (i32, i32) {
    %c0_i32 = arith.constant 0 : i32
    %c0_i32_0 = arith.constant 0 : i32
    %c0_i32_1 = arith.constant 0 : i32
    return %c0_i32, %c0_i32_0 : i32, i32
  }
  func.func @transform_3(%arg0: i32, %arg1: i32) -> (i32, i32, i32) {
    %c0_i32 = arith.constant 0 : i32
    %c0_i32_0 = arith.constant 0 : i32
    return %arg0, %arg1, %c0_i32 : i32, i32, i32
  }
  func.func @transform_4(%arg0: i32, %arg1: i32) -> (i32, i32) {
    %c0_i32 = arith.constant 0 : i32
    %c0_i32_0 = arith.constant 0 : i32
    %c0_i32_1 = arith.constant 0 : i32
    return %c0_i32, %c0_i32_0 : i32, i32
  }
}

module attributes {stable_mosaic.version = 14 : i64} {
  func.func @_passc_body(%arg0: i32, %arg1: i32, %arg2: memref<1x128x64xf32, #tpu.memory_space<vmem>>, %arg3: memref<8x128xf32, #tpu.memory_space<vmem>>, %arg4: memref<64x256xf32, #tpu.memory_space<vmem>>, %arg5: memref<1x128x256xf32, #tpu.memory_space<vmem>>, %arg6: memref<8x256xf32, #tpu.memory_space<vmem>>) attributes {dimension_semantics = [#tpu.dimension_semantics<arbitrary>, #tpu.dimension_semantics<arbitrary>], iteration_bounds = array<i64: 16, 12>, scalar_prefetch = 0 : i64, scratch_operands = 0 : i64, tpu.core_type = #tpu.core_type<tc>, window_params = [{transform_indices = @transform_0, window_bounds = array<i64: 1, 128, 64>}, {pipeline_mode = #tpu.pipeline_mode<synchronous>, transform_indices = @transform_1, window_bounds = array<i64: 8, 128>}, {pipeline_mode = #tpu.pipeline_mode<synchronous>, transform_indices = @transform_2, window_bounds = array<i64: 64, 256>}, {transform_indices = @transform_3, window_bounds = array<i64: 1, 128, 256>}, {pipeline_mode = #tpu.pipeline_mode<synchronous>, transform_indices = @transform_4, window_bounds = array<i64: 8, 256>}]} {
    %eq3A = arith.constant 0 : i32
    %eq3A_0 = arith.cmpi eq, %arg0, %eq3A : i32
    %eq3A_1 = arith.constant 0 : i32
    %eq3A_2 = arith.cmpi eq, %arg1, %eq3A_1 : i32
    %and3A = arith.andi %eq3A_0, %eq3A_2 : i1
    %convert_element_type3A = arith.extui %and3A : i1 to i32
    %cond3A = arith.constant 0 : i32
    %cond3A_3 = arith.cmpi ne, %convert_element_type3A, %cond3A : i32
    scf.if %cond3A_3 {
      %broadcast_in_dim3A_69 = arith.constant 0.000000e+00 : f32
      %broadcast_in_dim3A_70 = vector.broadcast %broadcast_in_dim3A_69 : f32 to vector<8x256xf32>
      %swap3A_71 = arith.constant 0 : index
      %swap3A_72 = arith.constant 0 : index
      %swap3A_73 = vector.load %arg6[%swap3A_71, %swap3A_72] : memref<8x256xf32, #tpu.memory_space<vmem>>, vector<8x256xf32>
      tpu.vector_store %arg6[%swap3A_71, %swap3A_72], %broadcast_in_dim3A_70 {strides = array<i32>} : memref<8x256xf32, #tpu.memory_space<vmem>>, vector<8x256xf32>,
    } else {
    }
    %get3A = arith.constant 0 : index
    %get3A_4 = arith.constant 0 : index
    %get3A_5 = vector.load %arg3[%get3A, %get3A_4] : memref<8x128xf32, #tpu.memory_space<vmem>>, vector<1x64xf32>
    %div3A = arith.constant 4.851200e+05 : f32
    %div3A_6 = vector.broadcast %div3A : f32 to vector<1x64xf32>
    %div3A_7 = arith.divf %get3A_5, %div3A_6 : vector<1x64xf32>
    %get3A_8 = arith.constant 1 : index
    %get3A_9 = arith.constant 0 : index
    %get3A_10 = vector.load %arg3[%get3A_8, %get3A_9] : memref<8x128xf32, #tpu.memory_space<vmem>>, vector<1x64xf32>
    %div3A_11 = arith.constant 4.851200e+05 : f32
    %div3A_12 = vector.broadcast %div3A_11 : f32 to vector<1x64xf32>
    %div3A_13 = arith.divf %get3A_10, %div3A_12 : vector<1x64xf32>
    %mul3A = arith.mulf %div3A_7, %div3A_7 : vector<1x64xf32>
    %sub3A = arith.subf %div3A_13, %mul3A : vector<1x64xf32>
    %add3A = arith.constant 9.99999974E-6 : f32
    %add3A_14 = vector.broadcast %add3A : f32 to vector<1x64xf32>
    %add3A_15 = arith.addf %sub3A, %add3A_14 : vector<1x64xf32>
    %rsqrt3A = math.rsqrt %add3A_15 : vector<1x64xf32>
    %get3A_16 = arith.constant 0 : index
    %get3A_17 = arith.constant 0 : index
    %get3A_18 = arith.constant 0 : index
    %get3A_19 = vector.load %arg2[%get3A_16, %get3A_17, %get3A_18] : memref<1x128x64xf32, #tpu.memory_space<vmem>>, vector<1x128x64xf32>
    %get3A_20 = vector.shape_cast %get3A_19 : vector<1x128x64xf32> to vector<128x64xf32>
    %sub3A_21 = vector.broadcast %div3A_7 : vector<1x64xf32> to vector<128x64xf32>
    %sub3A_22 = arith.subf %get3A_20, %sub3A_21 : vector<128x64xf32>
    %mul3A_23 = vector.broadcast %rsqrt3A : vector<1x64xf32> to vector<128x64xf32>
    %mul3A_24 = arith.mulf %sub3A_22, %mul3A_23 : vector<128x64xf32>
    %max3A = arith.constant 0.000000e+00 : f32
    %max3A_25 = vector.broadcast %max3A : f32 to vector<128x64xf32>
    %max3A_26 = arith.maximumf %mul3A_24, %max3A_25 : vector<128x64xf32>
    %get3A_27 = arith.constant 0 : index
    %get3A_28 = arith.constant 0 : index
    %get3A_29 = vector.load %arg4[%get3A_27, %get3A_28] : memref<64x256xf32, #tpu.memory_space<vmem>>, vector<64x256xf32>
    %dot_general3A = arith.constant dense<0.000000e+00> : vector<128x256xf32>
    %dot_general3A_30 = tpu.matmul %max3A_26, %get3A_29, %dot_general3A {dimension_numbers = #tpu.dot_dimension_numbers<[1], [0], [0], [1], [0, 0, 1, 1], [], []>, transpose_lhs_hint = false} : vector<128x64xf32>, vector<64x256xf32>, vector<128x256xf32> -> vector<128x256xf32>
    %swap3A = arith.constant 0 : index
    %swap3A_31 = arith.constant 0 : index
    %swap3A_32 = arith.constant 0 : index
    %swap3A_33 = vector.load %arg5[%swap3A, %swap3A_31, %swap3A_32] : memref<1x128x256xf32, #tpu.memory_space<vmem>>, vector<1x128x256xf32>
    %swap3A_34 = vector.shape_cast %swap3A_33 : vector<1x128x256xf32> to vector<128x256xf32>
    %swap3A_35 = vector.shape_cast %dot_general3A_30 : vector<128x256xf32> to vector<1x128x256xf32>
    tpu.vector_store %arg5[%swap3A, %swap3A_31, %swap3A_32], %swap3A_35 {strides = array<i32>} : memref<1x128x256xf32, #tpu.memory_space<vmem>>, vector<1x128x256xf32>,
    %mul3A_36 = arith.constant 128 : i32
    %mul3A_37 = arith.muli %arg1, %mul3A_36 : i32
    %iota3A = tpu.iota {dimensions = array<i32: 0>} : vector<128x1xi32>
    %add3A_38 = vector.broadcast %mul3A_37 : i32 to vector<128x1xi32>
    %add3A_39 = arith.addi %add3A_38, %iota3A : vector<128x1xi32>
    %lt3A = arith.constant 1516 : i32
    %lt3A_40 = vector.broadcast %lt3A : i32 to vector<128x1xi32>
    %lt3A_41 = arith.cmpi slt, %add3A_39, %lt3A_40 : vector<128x1xi32>
    %jit3A = arith.constant 0.000000e+00 : f32
    %broadcast_in_dim3A = vector.shape_cast %lt3A_41 : vector<128x1xi1> to vector<128x1xi1>
    %broadcast_in_dim3A_42 = vector.broadcast %broadcast_in_dim3A : vector<128x1xi1> to vector<128x256xi1>
    %broadcast_in_dim3A_43 = vector.broadcast %jit3A : f32 to vector<128x256xf32>
    %select_n3A = arith.select %broadcast_in_dim3A_42, %dot_general3A_30, %broadcast_in_dim3A_43 : vector<128x256xi1>, vector<128x256xf32>
    %mul3A_44 = arith.mulf %dot_general3A_30, %dot_general3A_30 : vector<128x256xf32>
    %jit3A_45 = arith.constant 0.000000e+00 : f32
    %broadcast_in_dim3A_46 = vector.shape_cast %lt3A_41 : vector<128x1xi1> to vector<128x1xi1>
    %broadcast_in_dim3A_47 = vector.broadcast %broadcast_in_dim3A_46 : vector<128x1xi1> to vector<128x256xi1>
    %broadcast_in_dim3A_48 = vector.broadcast %jit3A_45 : f32 to vector<128x256xf32>
    %select_n3A_49 = arith.select %broadcast_in_dim3A_47, %mul3A_44, %broadcast_in_dim3A_48 : vector<128x256xi1>, vector<128x256xf32>
    %get3A_50 = arith.constant 0 : index
    %get3A_51 = arith.constant 0 : index
    %get3A_52 = vector.load %arg6[%get3A_50, %get3A_51] : memref<8x256xf32, #tpu.memory_space<vmem>>, vector<1x256xf32>
    %reduce_sum3A = arith.constant dense<0.000000e+00> : vector<256xf32>
    %reduce_sum3A_53 = vector.multi_reduction <add>, %select_n3A, %reduce_sum3A [0] : vector<128x256xf32> to vector<256xf32>
    %broadcast_in_dim3A_54 = vector.shape_cast %reduce_sum3A_53 : vector<256xf32> to vector<1x256xf32>
    %add3A_55 = arith.addf %get3A_52, %broadcast_in_dim3A_54 : vector<1x256xf32>
    %swap3A_56 = arith.constant 0 : index
    %swap3A_57 = arith.constant 0 : index
    %swap3A_58 = vector.load %arg6[%swap3A_56, %swap3A_57] : memref<8x256xf32, #tpu.memory_space<vmem>>, vector<1x256xf32>
    tpu.vector_store %arg6[%swap3A_56, %swap3A_57], %add3A_55 {strides = array<i32>} : memref<8x256xf32, #tpu.memory_space<vmem>>, vector<1x256xf32>,
    %get3A_59 = arith.constant 1 : index
    %get3A_60 = arith.constant 0 : index
    %get3A_61 = vector.load %arg6[%get3A_59, %get3A_60] : memref<8x256xf32, #tpu.memory_space<vmem>>, vector<1x256xf32>
    %reduce_sum3A_62 = arith.constant dense<0.000000e+00> : vector<256xf32>
    %reduce_sum3A_63 = vector.multi_reduction <add>, %select_n3A_49, %reduce_sum3A_62 [0] : vector<128x256xf32> to vector<256xf32>
    %broadcast_in_dim3A_64 = vector.shape_cast %reduce_sum3A_63 : vector<256xf32> to vector<1x256xf32>
    %add3A_65 = arith.addf %get3A_61, %broadcast_in_dim3A_64 : vector<1x256xf32>
    %swap3A_66 = arith.constant 1 : index
    %swap3A_67 = arith.constant 0 : index
    %swap3A_68 = vector.load %arg6[%swap3A_66, %swap3A_67] : memref<8x256xf32, #tpu.memory_space<vmem>>, vector<1x256xf32>
    tpu.vector_store %arg6[%swap3A_66, %swap3A_67], %add3A_65 {strides = array<i32>} : memref<8x256xf32, #tpu.memory_space<vmem>>, vector<1x256xf32>,
    return
  }
  func.func @transform_0(%arg0: i32, %arg1: i32) -> (i32, i32, i32) {
    %c0_i32 = arith.constant 0 : i32
    %c0_i32_0 = arith.constant 0 : i32
    return %arg0, %arg1, %c0_i32 : i32, i32, i32
  }
  func.func @transform_1(%arg0: i32, %arg1: i32) -> (i32, i32) {
    %c0_i32 = arith.constant 0 : i32
    %c0_i32_0 = arith.constant 0 : i32
    %c0_i32_1 = arith.constant 0 : i32
    return %c0_i32, %c0_i32_0 : i32, i32
  }
  func.func @transform_2(%arg0: i32, %arg1: i32) -> (i32, i32) {
    %c0_i32 = arith.constant 0 : i32
    %c0_i32_0 = arith.constant 0 : i32
    %c0_i32_1 = arith.constant 0 : i32
    return %c0_i32, %c0_i32_0 : i32, i32
  }
  func.func @transform_3(%arg0: i32, %arg1: i32) -> (i32, i32, i32) {
    %c0_i32 = arith.constant 0 : i32
    %c0_i32_0 = arith.constant 0 : i32
    return %arg0, %arg1, %c0_i32 : i32, i32, i32
  }
  func.func @transform_4(%arg0: i32, %arg1: i32) -> (i32, i32) {
    %c0_i32 = arith.constant 0 : i32
    %c0_i32_0 = arith.constant 0 : i32
    %c0_i32_1 = arith.constant 0 : i32
    return %c0_i32, %c0_i32_0 : i32, i32
  }
}

module attributes {stable_mosaic.version = 14 : i64} {
  func.func @_passd_body(%arg0: i32, %arg1: i32, %arg2: memref<1x128x256xf32, #tpu.memory_space<vmem>>, %arg3: memref<1x128x32x32xf32, #tpu.memory_space<vmem>>, %arg4: memref<8x256xf32, #tpu.memory_space<vmem>>, %arg5: memref<8x128xf32, #tpu.memory_space<vmem>>, %arg6: memref<1x256x128xf32, #tpu.memory_space<vmem>>) attributes {dimension_semantics = [#tpu.dimension_semantics<arbitrary>, #tpu.dimension_semantics<arbitrary>], iteration_bounds = array<i64: 16, 12>, scalar_prefetch = 0 : i64, scratch_operands = 0 : i64, tpu.core_type = #tpu.core_type<tc>, window_params = [{transform_indices = @transform_0, window_bounds = array<i64: 1, 128, 256>}, {transform_indices = @transform_1, window_bounds = array<i64: 1, 128, 32, 32>}, {pipeline_mode = #tpu.pipeline_mode<synchronous>, transform_indices = @transform_2, window_bounds = array<i64: 8, 256>}, {pipeline_mode = #tpu.pipeline_mode<synchronous>, transform_indices = @transform_3, window_bounds = array<i64: 8, 128>}, {transform_indices = @transform_4, window_bounds = array<i64: 1, 256, 128>}]} {
    %get3A = arith.constant 0 : index
    %get3A_0 = arith.constant 0 : index
    %get3A_1 = vector.load %arg4[%get3A, %get3A_0] : memref<8x256xf32, #tpu.memory_space<vmem>>, vector<1x256xf32>
    %div3A = arith.constant 2.425600e+04 : f32
    %div3A_2 = vector.broadcast %div3A : f32 to vector<1x256xf32>
    %div3A_3 = arith.divf %get3A_1, %div3A_2 : vector<1x256xf32>
    %get3A_4 = arith.constant 1 : index
    %get3A_5 = arith.constant 0 : index
    %get3A_6 = vector.load %arg4[%get3A_4, %get3A_5] : memref<8x256xf32, #tpu.memory_space<vmem>>, vector<1x256xf32>
    %div3A_7 = arith.constant 2.425600e+04 : f32
    %div3A_8 = vector.broadcast %div3A_7 : f32 to vector<1x256xf32>
    %div3A_9 = arith.divf %get3A_6, %div3A_8 : vector<1x256xf32>
    %mul3A = arith.mulf %div3A_3, %div3A_3 : vector<1x256xf32>
    %sub3A = arith.subf %div3A_9, %mul3A : vector<1x256xf32>
    %add3A = arith.constant 9.99999974E-6 : f32
    %add3A_10 = vector.broadcast %add3A : f32 to vector<1x256xf32>
    %add3A_11 = arith.addf %sub3A, %add3A_10 : vector<1x256xf32>
    %rsqrt3A = math.rsqrt %add3A_11 : vector<1x256xf32>
    %get3A_12 = arith.constant 0 : index
    %get3A_13 = arith.constant 0 : index
    %get3A_14 = arith.constant 0 : index
    %get3A_15 = vector.load %arg2[%get3A_12, %get3A_13, %get3A_14] : memref<1x128x256xf32, #tpu.memory_space<vmem>>, vector<1x128x256xf32>
    %get3A_16 = vector.shape_cast %get3A_15 : vector<1x128x256xf32> to vector<128x256xf32>
    %sub3A_17 = vector.broadcast %div3A_3 : vector<1x256xf32> to vector<128x256xf32>
    %sub3A_18 = arith.subf %get3A_16, %sub3A_17 : vector<128x256xf32>
    %mul3A_19 = vector.broadcast %rsqrt3A : vector<1x256xf32> to vector<128x256xf32>
    %mul3A_20 = arith.mulf %sub3A_18, %mul3A_19 : vector<128x256xf32>
    %max3A = arith.constant 0.000000e+00 : f32
    %max3A_21 = vector.broadcast %max3A : f32 to vector<128x256xf32>
    %max3A_22 = arith.maximumf %mul3A_20, %max3A_21 : vector<128x256xf32>
    %get3A_23 = arith.constant 0 : index
    %get3A_24 = arith.constant 64 : index
    %get3A_25 = vector.load %arg5[%get3A_23, %get3A_24] : memref<8x128xf32, #tpu.memory_space<vmem>>, vector<1x32xf32>
    %div3A_26 = arith.constant 4.851200e+05 : f32
    %div3A_27 = vector.broadcast %div3A_26 : f32 to vector<1x32xf32>
    %div3A_28 = arith.divf %get3A_25, %div3A_27 : vector<1x32xf32>
    %get3A_29 = arith.constant 1 : index
    %get3A_30 = arith.constant 64 : index
    %get3A_31 = vector.load %arg5[%get3A_29, %get3A_30] : memref<8x128xf32, #tpu.memory_space<vmem>>, vector<1x32xf32>
    %div3A_32 = arith.constant 4.851200e+05 : f32
    %div3A_33 = vector.broadcast %div3A_32 : f32 to vector<1x32xf32>
    %div3A_34 = arith.divf %get3A_31, %div3A_33 : vector<1x32xf32>
    %mul3A_35 = arith.mulf %div3A_28, %div3A_28 : vector<1x32xf32>
    %sub3A_36 = arith.subf %div3A_34, %mul3A_35 : vector<1x32xf32>
    %add3A_37 = arith.constant 9.99999974E-6 : f32
    %add3A_38 = vector.broadcast %add3A_37 : f32 to vector<1x32xf32>
    %add3A_39 = arith.addf %sub3A_36, %add3A_38 : vector<1x32xf32>
    %rsqrt3A_40 = math.rsqrt %add3A_39 : vector<1x32xf32>
    %get3A_41 = arith.constant 0 : index
    %get3A_42 = arith.constant 0 : index
    %get3A_43 = arith.constant 0 : index
    %get3A_44 = arith.constant 0 : index
    %get3A_45 = vector.load %arg3[%get3A_41, %get3A_42, %get3A_43, %get3A_44] : memref<1x128x32x32xf32, #tpu.memory_space<vmem>>, vector<1x128x32x32xf32>
    %get3A_46 = vector.shape_cast %get3A_45 : vector<1x128x32x32xf32> to vector<128x32x32xf32>
    %broadcast_in_dim3A = vector.shape_cast %div3A_28 : vector<1x32xf32> to vector<1x1x32xf32>
    %sub3A_47 = vector.broadcast %broadcast_in_dim3A : vector<1x1x32xf32> to vector<128x32x32xf32>
    %sub3A_48 = arith.subf %get3A_46, %sub3A_47 : vector<128x32x32xf32>
    %broadcast_in_dim3A_49 = vector.shape_cast %rsqrt3A_40 : vector<1x32xf32> to vector<1x1x32xf32>
    %mul3A_50 = vector.broadcast %broadcast_in_dim3A_49 : vector<1x1x32xf32> to vector<128x32x32xf32>
    %mul3A_51 = arith.mulf %sub3A_48, %mul3A_50 : vector<128x32x32xf32>
    %reshape3A = vector.shape_cast %max3A_22 : vector<128x256xf32> to vector<128x8x32xf32>
    %dot_general3A = arith.constant dense<0.000000e+00> : vector<128x8x32xf32>
    %dot_general3A_52 = tpu.matmul %reshape3A, %mul3A_51, %dot_general3A {dimension_numbers = #tpu.dot_dimension_numbers<[2], [1], [1], [2], [0, 0, 0, 1, 1, 2], [0], [0]>, transpose_lhs_hint = false} : vector<128x8x32xf32>, vector<128x32x32xf32>, vector<128x8x32xf32> -> vector<128x8x32xf32>
    %reshape3A_53 = vector.shape_cast %dot_general3A_52 : vector<128x8x32xf32> to vector<128x256xf32>
    %transpose3A = tpu.transpose %reshape3A_53, [1, 0] : vector<128x256xf32> -> vector<256x128xf32>
    %swap3A = arith.constant 0 : index
    %swap3A_54 = arith.constant 0 : index
    %swap3A_55 = arith.constant 0 : index
    %swap3A_56 = vector.load %arg6[%swap3A, %swap3A_54, %swap3A_55] : memref<1x256x128xf32, #tpu.memory_space<vmem>>, vector<1x256x128xf32>
    %swap3A_57 = vector.shape_cast %swap3A_56 : vector<1x256x128xf32> to vector<256x128xf32>
    %swap3A_58 = vector.shape_cast %transpose3A : vector<256x128xf32> to vector<1x256x128xf32>
    tpu.vector_store %arg6[%swap3A, %swap3A_54, %swap3A_55], %swap3A_58 {strides = array<i32>} : memref<1x256x128xf32, #tpu.memory_space<vmem>>, vector<1x256x128xf32>,
    return
  }
  func.func @transform_0(%arg0: i32, %arg1: i32) -> (i32, i32, i32) {
    %c0_i32 = arith.constant 0 : i32
    %c0_i32_0 = arith.constant 0 : i32
    return %arg0, %arg1, %c0_i32 : i32, i32, i32
  }
  func.func @transform_1(%arg0: i32, %arg1: i32) -> (i32, i32, i32, i32) {
    %c0_i32 = arith.constant 0 : i32
    %c0_i32_0 = arith.constant 0 : i32
    %c0_i32_1 = arith.constant 0 : i32
    return %arg0, %arg1, %c0_i32, %c0_i32_0 : i32, i32, i32, i32
  }
  func.func @transform_2(%arg0: i32, %arg1: i32) -> (i32, i32) {
    %c0_i32 = arith.constant 0 : i32
    %c0_i32_0 = arith.constant 0 : i32
    %c0_i32_1 = arith.constant 0 : i32
    return %c0_i32, %c0_i32_0 : i32, i32
  }
  func.func @transform_3(%arg0: i32, %arg1: i32) -> (i32, i32) {
    %c0_i32 = arith.constant 0 : i32
    %c0_i32_0 = arith.constant 0 : i32
    %c0_i32_1 = arith.constant 0 : i32
    return %c0_i32, %c0_i32_0 : i32, i32
  }
  func.func @transform_4(%arg0: i32, %arg1: i32) -> (i32, i32, i32) {
    %c0_i32 = arith.constant 0 : i32
    %c0_i32_0 = arith.constant 0 : i32
    return %arg0, %c0_i32, %arg1 : i32, i32, i32
  }
}

</mosaic_0001>

<sc_bundles>
// kernel: kernel.8.cloned.1.call-start
scs
__scs_entry_jumppad:
0x0: {  	(pc) =	sbr.rel $0x88, $3  }
0x1: {  	(tag) =	ssettag $0x0;
	lr =	simm.s32 $0x1  }
0x2: {  	[smem:$0x3F99] =	sst lr;
	_ =	strace $0xD0000000  }
0x3: {  	_ = 	snop  }
0x4: {  	_ = 	snop  }
0x5: {  	_ = 	snop  }
0x6: {  	_ = 	snop  }
0x7: {  	_ = 	snop  }
__scs_overlays_trampoline_lowered:
0x8: {  	[smem:$0x3FA8] =	sst s0  }
0x9: {  	[smem:$0x3FA9] =	sst s1  }
0xa: {  	[smem:$0x3FAA] =	sst s2  }
0xb: {  	[smem:$0x3FAB] =	sst s3  }
0xc: {  	[smem:$0x3FAC] =	sst s4  }
0xd: {  	[smem:$0x3FAD] =	sst s5  }
0xe: {  	[smem:$0x3FAE] =	sst s6  }
0xf: {  	[smem:$0x3FAF] =	sst s7  }
0x10: {  	[smem:$0x3FB0] =	sst s8  }
0x11: {  	[smem:$0x3FB1] =	sst s9;
	s0 =	simm.s32 @!p0 $0x0  }
0x12: {  	s1 =	sld [smem:$0x3F97];
	s0 =	simm.s32 @p0 $0x1  }
0x13: {  	[smem:$0x3FB2] =	sst s0;
	s0 =	simm.s32 @!p1 $0x0  }
0x14: {  	s2 =	sld [smem:$0x3F96];
	s0 =	simm.s32 @p1 $0x1  }
0x15: {  	[smem:$0x3FB3] =	sst s0;
	s0 =	simm.s32 @!p2 $0x0  }
0x16: {  	s3 =	sld [smem:$0x3FDB];
	s0 =	simm.s32 @p2 $0x1  }
0x17: {  	s4 =	simm.s32 $0x1BF5;
	[smem:$0x3FB5] =	sst s0  }
0x18: {  	s0 =	sld [smem:$0x3F98];
	_ =	swait.ge [sflag:s4], $0x0  }
0x19: {  	s7 =	sld [smem:$0x3F99]  }
0x1a: {  	s8 =	sadd.s32 $0xFFFFE003, lr  }
0x1b: {  	s9 =	sadd.s32 $0xFFFFFEF7, lr;
	s5 =	simm.s32 $0xFFFFFFFF;
	p2 =	slt.u32 s8, $0xFFFFF086  }
0x1c: {  	p1 =	slt.u32 s9, $0xF7A;
	s5 =	simm.s32 @!p2 $0x0  }
0x1d: {  	s5 =	simm.s32 @p1 $0x1;
	p0 =	seq.s32 s7, s2  }
0x1e: {  	s7 =	smul.u32 @!p0 $0xF7A, s2;
	p2 =	seq.s32 @!p0 s5, $0x0  }
0x1f: {  	s9 =	smul.u32 $0xF7A, s1;
	s8 =	simm.s32 @!p0 $0x1BF5;
	p2 =	por !p2, p0  }
0x20: {  	[sflag:s8] =	ssyncset.s32 @!p0 $0xFFFFF086;
	s6 =	sadd.s32 @!p0 s3, s7;
	s7 =	simm.s32 @!p0 $0x108  }
0x21: {  	s3 =	sadd.s32 s3, s9;
	s6 =	sadd.s32 @!p0 $0x88, s6;
	s7 =	simm.s32 @p2 $0x1082  }
0x22: {  	[simem:s7], [sflag:s8] =	dma.local @!p0 [hbm:s6], $0xF7A  }
0x23: {  	s9 =	sor.u32 $0xD0000000, s2;
	s6 =	simm.s32 $0x108;
	_ =	swait.ge @!p0 [sflag:s8], $0x0  }
0x24: {  	s3 =	sadd.s32 $0x88, s3;
	s6 =	simm.s32 @!p1 $0x1082;
	[sflag:s4] =	ssyncset.s32 $0xFFFFF086  }
0x25: {  	[simem:s6], [sflag:s4] =	dma.local [hbm:s3], $0xF7A  }
0x26: {  	[smem:$0x3F99] =	sst s1;
	(tag) =	ssettag s2;
	_ =	strace s9  }
0x27: {  	s1 =	sld [smem:$0x3FA9]  }
0x28: {  	s2 =	sld [smem:$0x3FAA]  }
0x29: {  	s4 =	sld [smem:$0x3FAC]  }
0x2a: {  	p0 =	seq.s32 s5, $0x0;
	s5 =	sld [smem:$0x3FAD]  }
0x2b: {  	s6 =	sld [smem:$0x3FAE]  }
0x2c: {  	s7 =	sld [smem:$0x3FAF]  }
0x2d: {  	s3 =	simm.s32 $0x108;
	s8 =	sld [smem:$0x3FB0]  }
0x2e: {  	s3 =	simm.s32 @!p0 $0x1082;
	s9 =	sld [smem:$0x3FB1]  }
0x2f: {  	lr =	sadd.s32 s0, s3;
	s0 =	sld [smem:$0x3FA8]  }
0x30: {  	s3 =	sld [smem:$0x3FAB]  }
0x31: {  	[smem:$0x3FB4] =	sst s10  }
0x32: {  	s10 =	sld [smem:$0x3FB2];
	_ =	sdelay $0x3  }
0x33: {  	p0 =	seq.s32 s10, $0x1;
	s10 =	sld [smem:$0x3FB4];
	_ =	sdelay $0x3  }
0x34: {  	[smem:$0x3FB4] =	sst s10  }
0x35: {  	s10 =	sld [smem:$0x3FB3];
	_ =	sdelay $0x3  }
0x36: {  	p1 =	seq.s32 s10, $0x1;
	s10 =	sld [smem:$0x3FB4];
	_ =	sdelay $0x3  }
0x37: {  	[smem:$0x3FB4] =	sst s10  }
0x38: {  	s10 =	sld [smem:$0x3FB5]  }
0x39: {  	_ = 	snop;
	(pc) =	sbr.ind lr, $3  }
0x3a: {  	_ = 	snop  }
0x3b: {  	_ = 	snop  }
0x3c: {  	p2 =	seq.s32 s10, $0x1;
	s10 =	sld [smem:$0x3FB4]  }
0x3d: {  	_ =	shalt  }
0x3e: {  	_ =	shalt  }
0x3f: {  	_ =	shalt  }
0x40: {  	_ =	shalt  }
0x41: {  	_ =	shalt  }
0x42: {  	_ =	shalt  }
0x43: {  	_ =	shalt  }
0x44: {  	_ =	shalt  }
0x45: {  	_ =	shalt  }
0x46: {  	_ =	shalt  }
0x47: {  	_ =	shalt  }
0x48: {  	_ =	shalt  }
0x49: {  	_ =	shalt  }
0x4a: {  	_ =	shalt  }
0x4b: {  	_ =	shalt  }
0x4c: {  	_ =	shalt  }
0x4d: {  	_ =	shalt  }
0x4e: {  	_ =	shalt  }
0x4f: {  	_ =	shalt  }
0x50: {  	_ =	shalt  }
0x51: {  	_ =	shalt  }
0x52: {  	_ =	shalt  }
0x53: {  	_ =	shalt  }
0x54: {  	_ =	shalt  }
0x55: {  	_ =	shalt  }
0x56: {  	_ =	shalt  }
0x57: {  	_ =	shalt  }
0x58: {  	_ =	shalt  }
0x59: {  	_ =	shalt  }
0x5a: {  	_ =	shalt  }
0x5b: {  	_ =	shalt  }
0x5c: {  	_ =	shalt  }
0x5d: {  	_ =	shalt  }
0x5e: {  	_ =	shalt  }
0x5f: {  	_ =	shalt  }
0x60: {  	_ =	shalt  }
0x61: {  	_ =	shalt  }
0x62: {  	_ =	shalt  }
0x63: {  	_ =	shalt  }
0x64: {  	_ =	shalt  }
0x65: {  	_ =	shalt  }
0x66: {  	_ =	shalt  }
0x67: {  	_ =	shalt  }
0x68: {  	_ =	shalt  }
0x69: {  	_ =	shalt  }
0x6a: {  	_ =	shalt  }
0x6b: {  	_ =	shalt  }
0x6c: {  	_ =	shalt  }
0x6d: {  	_ =	shalt  }
0x6e: {  	_ =	shalt  }
0x6f: {  	_ =	shalt  }
0x70: {  	_ =	shalt  }
0x71: {  	_ =	shalt  }
0x72: {  	_ =	shalt  }
0x73: {  	_ =	shalt  }
0x74: {  	_ =	shalt  }
0x75: {  	_ =	shalt  }
0x76: {  	_ =	shalt  }
0x77: {  	_ =	shalt  }
0x78: {  	_ =	shalt  }
0x79: {  	_ =	shalt  }
0x7a: {  	_ =	shalt  }
0x7b: {  	_ =	shalt  }
0x7c: {  	_ =	shalt  }
0x7d: {  	_ =	shalt  }
0x7e: {  	_ =	shalt  }
0x7f: {  	_ =	shalt  }
0x80: {  	_ =	shalt  }
0x81: {  	_ =	shalt  }
0x82: {  	_ =	shalt  }
0x83: {  	_ =	shalt  }
0x84: {  	_ =	shalt  }
0x85: {  	_ =	shalt  }
0x86: {  	_ =	shalt  }
0x87: {  	_ =	shalt  }
.Lfunc_end0:
.L_simem_size_0:
called_computation_lowered:
.L_overlay_start_0:
0x88: {  	s2 =	sld [smem:$0x3FD9]  }
0x89: {  	s3 =	sld [smem:$0x3FFE];
	_ =	sdelay $0x1  }
0x8a: {  	s1 =	srdreg.scid  }
0x8b: {  	s0 =	sand.u32 $0x1, s1  }
0x8c: {  	s14 =	sshll.u32 s0, $0xA;
	s2 =	sadd.s32 s3, s2  }
0x8d: {  	s2 =	sadd.s32 s2, s14  }
0x8e: {  	[smem:$0x3FC0] =	sst s2  }
0x8f: {  	_ = 	snop  }
0x90: {  	s2 =	sld [smem:$0x3FD0];
	_ =	sdelay $0x2  }
0x91: {  	s15 =	simm.s32 $0xA;
	s4 =	simm.s32 $0x10  }
0x92: {  	[smem:s4], [sflag:s15] =	dma.local [hbm:s2], $0x1  }
0x93: {  	_ =	swait.eq [sflag:s15], $0x1  }
0x94: {  	[sflag:s15] =	ssyncset.done $0x0  }
0x95: {  	[sflag:s15] =	ssyncadd.s32 $0xFFFFFFFF  }
0x96: {  	s16 =	sld [smem:$0x11];
	(tm) =	ssettm $0x1  }
0x97: {  	s17 =	sld [smem:$0x3FFB];
	_ =	sdelay $0x3  }
0x98: {  	_ =	strace s17  }
0x99: {  	s3 =	sld [smem:$0x3FFC];
	_ =	sdelay $0x3  }
0x9a: {  	_ =	strace s3  }
0x9b: {  	s3 =	sld [smem:$0x3FFD];
	_ =	sdelay $0x3  }
0x9c: {  	_ =	strace s3  }
0x9d: {  	_ =	strace $0x8FFFFFFF  }
0x9e: {  	s18 =	sld [smem:$0x3FDB];
	_ =	sdelay $0x1  }
0x9f: {  	s19 =	simm.s32 $_scs_section_size  }
0xa0: {  	s5 =	simm.s32 $_size__tile_overlayer_lowered;
	s6 =	simm.s32 $_tile_overlayer_lowered  }
0xa1: {  	s22 =	simm.s32 $0x1BFF;
	s21 =	sshll.u32 s6, $0x1;
	s3 =	sadd.s32 s19, s18  }
0xa2: {  	s7 =	simm.s32 $0x0;
	s20 =	sshll.u32 s5, $0x1;
	s5 =	sadd.s32 s21, s3  }
0xa3: {  	[timem:s7], [sflag:s22] =	dma.local [hbm:s5], s20  }
0xa4: {  	_ =	swait.ge [sflag:s22], s20  }
0xa5: {  	s4 =	ssub.s32 $0x0, s20;
	[sflag:s22] =	ssyncset.done $0x0  }
0xa6: {  	[sflag:s22] =	ssyncadd.s32 s4;
	_ =	sdelay $0x1  }
0xa7: {  	s23 =	simm.s32 $0x1B8B  }
0xa8: {  	_ =	swait.ge [sflag:s23], $0x1  }
0xa9: {  	[sflag:s23] =	ssyncset.done $0x0  }
0xaa: {  	s25 =	simm.s32 $0x1B8E;
	s24 =	sld [smem:$0x3FFE];
	[sflag:s23] =	ssyncadd.s32 $0xFFFFFFFF  }
0xab: {  	s26 =	simm.s32 $execute0_lowered;
	[smem:$0x3FD2] =	sst s25  }
0xac: {  	s5 =	sshll.u32 s26, $0x1;
	_ =	strace $0x80000046;
	[dreg:$0x1] =	wrdreg $0xFFFFFFFF  }
0xad: {  	s28 =	simm.s32 $_size_execute0_lowered;
	s3 =	sadd.s32 s3, s5;
	[dreg:$0x0] =	wrdreg $0x0  }
0xae: {  	s5 =	sshll.u32 s28, $0x1;
	[dreg:$0x2] =	wrdreg s3  }
0xaf: {  	[dreg:$0x3] =	wrdreg s5  }
0xb0: {  	[dreg:$0x4] =	wrdreg $0xC0  }
0xb1: {  	_ =	task [dreg:s7], $0x5FFFF  }
0xb2: {  	[dreg:$0x1] =	wrdreg $0xFFFFFFFF  }
0xb3: {  	[dreg:$0x0] =	wrdreg $0x60  }
0xb4: {  	[dreg:$0x2] =	wrdreg s16  }
0xb5: {  	[dreg:$0x3] =	wrdreg s24  }
0xb6: {  	[dreg:$0x4] =	wrdreg $0x9  }
0xb7: {  	_ =	task.clear_ibuf [dreg:s7], $0x5FFFF;
	_ =	strace $0x90000046  }
0xb8: {  	s29 =	simm.s32 $0x9;
	_ =	strace $0x80000048  }
0xb9: {  	_ =	swait.ge [sflag:s29], $0x1  }
0xba: {  	[sflag:s29] =	ssyncadd.s32 $0xFFFFFFFF  }
0xbb: {  	_ =	strace $0x90000048  }
0xbc: {  	_ =	sfence  }
0xbd: {  	s30 =	sld [smem:$0x0];
	_ =	sdelay $0x2  }
0xbe: {  	s31 =	sshll.u32 s1, $0xD;
	s1 =	sshrl.u32 s1, $0x2  }
0xbf: {  	s3 =	sand.u32 $0x4000, s31;
	s1 =	sadd.s32 s1, s30  }
0xc0: {  	s0 =	sor.u32 s3, s0;
	s1 =	sshll.u32 s1, $0x11  }
0xc1: {  	s0 =	sor.u32 s1, s0  }
0xc2: {  	s0 =	sadd.s32 $0x8F2B, s0  }
0xc3: {  	[sflag:s0] =	ssyncadd.remote.s32 $0x1  }
0xc4: {  	_ =	sfence.sel $0xFFFF  }
0xc5: {  	[dreg:$0x0] =	wrdreg $0xFFFFFFFF;
	(pc) =	sbr.abs _section_cstart, $3  }
0xc6: {  	[dreg:$0x1] =	wrdreg $0xFFFFFFFF  }
0xc7: {  	_ =	task.clear_ibuf [dreg:s7], $0x2FFFF;
	_ =	strace $0x9FFFFFFF  }
0xc8: {  	(tm) =	ssettm $0x7FFFFFFF  }
0xc9: {  	_ =	shalt  }
tec
execute0_lowered:
.L_overlay_start_1:
0x0: {  	(tag) =	ssettag $0x1  }
0x1: {  	s1 =	rddreg [dreg:$0x0]  }
0x2: {  	s5 =	rddreg [dreg:$0x1]  }
0x3: {  	s0 =	rddreg [dreg:$0x2]  }
0x4: {  	s3 =	simm.s32 $0x0;
	s4 =	srdreg.scid;
	s2 =	stileid.u32  }
0x5: {  	s12 =	simm.s32 $0x4100;
	s13 =	simm.s32 $0x1;
	s7 =	smul.u32 $0x3C0000, s2  }
0x6: {  	s14 =	simm.s32 $0x2;
	s6 =	sand.u32 $0x1, s4;
	s31 =	smul.u32 $0xF00, s2  }
0x7: {  	s15 =	simm.s32 $0x0;
	[smem:$0x7FF] =	sst s3;
	s9 =	smul.u32 $0x1E0000, s6  }
0x8: {  	s4 =	sadd.s32 $0x3200, s5;
	s8 =	ssub.s32 $0x2, s6;
	s11 =	smul.u32 $0x780, s6  }
0x9: {  	s10 =	sadd.s32 $0x122200, s5;
	_ =	strace $0x80000047;
	s30 =	sshrl.u32 s8, $0x1  }
0xa: {  	s5 =	ssub.s32 s8, s30;
	s7 =	sadd.s32 s9, s7;
	s8 =	sadd.s32 s11, s31  }
0xb: {  	s11 =	simm.s32 $0x100;
	s9 =	sshrl.u32 s7, $0x3;
	s7 =	sor.u32 $0x4000, s7  }
0xc: {  	s5 =	smax.u32 s5, $0x1;
	s6 =	sadd.s32 s9, s10;
	s7 =	sshrl.u32 s7, $0x3  }
0xd: {  	s9 =	simm.s32 $0x3;
	s7 =	sadd.s32 s7, s10;
	s10 =	simm.s32 $0x80  }
.LBB2_1:
0xe: {  	s16 =	sadd.s32 $0x0, s8;
	s17 =	sand.u32 $0x60, s3  }
0xf: {  	s16 =	sand.u32 $0xFFFFF80, s16;
	s17 =	sadd.s32 s4, s17  }
0x10: {  	s17 =	sadd.s32 s16, s17  }
0x11: {  	[tilespmem:s3], [sflag:$0x3] =	stream.linear.gather [hbm4b:s17+s3], $0x80, $0x38;
	[tilespmem:$0x8100] =	vst v63  }
0x12: {  	s31 =	simm.s32 $0x10;
	_ =	swait.ge [sflag:s9], $0x80  }
0x13: {  	s17 =	sand.u32 $0x70, s31;
	[sflag:s9] =	ssyncset.done $0x0  }
0x14: {  	s17 =	sadd.s32 s4, s17;
	[sflag:s9] =	ssyncadd.s32 $0xFFFFFF80  }
0x15: {  	[tilespmem:s11], [sflag:$0x1] =	stream.indirect.gather [hbm4b:s1+s10], $0x80, s3, s10, $0xb8;
	[tilespmem:$0x8100] =	vst v63  }
0x16: {  	s16 =	sadd.s32 s16, s17  }
0x17: {  	[tilespmem:s10], [sflag:$0x3] =	stream.linear.gather [hbm4b:s16+s3], $0x80, $0x38;
	[tilespmem:$0x8100] =	vst v63  }
0x18: {  	_ =	swait.ge [sflag:s9], $0x80  }
0x19: {  	[sflag:s9] =	ssyncset.done $0x0  }
0x1a: {  	[sflag:s9] =	ssyncadd.s32 $0xFFFFFF80  }
0x1b: {  	[tilespmem:s12], [sflag:$0x2] =	stream.indirect.gather [hbm4b:s1+s10], $0x80, s10, s10, $0xb8;
	[tilespmem:$0x8100] =	vst v63  }
0x1c: {  	_ =	swait.ge [sflag:s13], $0x4000  }
0x1d: {  	[sflag:s13] =	ssyncset.done $0x0  }
0x1e: {  	[sflag:s13] =	ssyncadd.s32 $0xFFFFC000  }
0x1f: {  	[hbm4b:s6+s3] =	stream.linear.scatter [tilespmem:s11], [sflag:$0x3], $0x4000, $0x38;
	[tilespmem:$0x8100] =	vst v63  }
0x20: {  	_ =	swait.ge [sflag:s9], $0x4000  }
0x21: {  	[sflag:s9] =	ssyncset.done $0x0  }
0x22: {  	[sflag:s9] =	ssyncadd.s32 $0xFFFFC000  }
0x23: {  	s18 =	simm.s32 $0x20;
	s20 =	simm.s32 $0x40;
	_ =	swait.ge [sflag:s14], $0x4000  }
0x24: {  	s19 =	sadd.s32 $0x20, s8;
	s21 =	sand.u32 $0x60, s18;
	[sflag:s14] =	ssyncset.done $0x0  }
0x25: {  	s19 =	sand.u32 $0xFFFFF80, s19;
	s21 =	sadd.s32 s4, s21;
	[sflag:s14] =	ssyncadd.s32 $0xFFFFC000  }
0x26: {  	[hbm4b:s7+s3] =	stream.linear.scatter [tilespmem:s12], [sflag:$0x3], $0x4000, $0x38;
	[tilespmem:$0x8100] =	vst v63  }
0x27: {  	s17 =	sadd.s32 $0x1000, s6;
	s16 =	sadd.s32 $0x1000, s7;
	_ =	swait.ge [sflag:s9], $0x4000  }
.LBB2_2:
0x28: {  	s21 =	sadd.s32 s19, s21;
	[sflag:s9] =	ssyncset.done $0x0  }
0x29: {  	s22 =	smov.u32 s20;
	s23 =	sadd.s32 $0x20, s20;
	s24 =	smov.u32 s16  }
0x2a: {  	p0 =	sne.s32 s20, $0x760;
	[sflag:s9] =	ssyncadd.s32 $0xFFFFC000  }
0x2b: {  	[tilespmem:s3], [sflag:$0x3] =	stream.linear.gather [hbm4b:s21+s3], $0x80, $0x38;
	[tilespmem:$0x8100] =	vst v63  }
0x2c: {  	s20 =	sadd.s32 $0x10, s18;
	s18 =	smov.u32 s22;
	_ =	swait.ge [sflag:s9], $0x80  }
0x2d: {  	s20 =	sand.u32 $0x70, s20;
	[sflag:s9] =	ssyncset.done $0x0  }
0x2e: {  	s20 =	sadd.s32 s4, s20;
	[sflag:s9] =	ssyncadd.s32 $0xFFFFFF80  }
0x2f: {  	[tilespmem:s11], [sflag:$0x1] =	stream.indirect.gather [hbm4b:s1+s10], $0x80, s3, s10, $0xb8;
	[tilespmem:$0x8100] =	vst v63  }
0x30: {  	s19 =	sadd.s32 s19, s20  }
0x31: {  	[tilespmem:s10], [sflag:$0x3] =	stream.linear.gather [hbm4b:s19+s3], $0x80, $0x38;
	[tilespmem:$0x8100] =	vst v63  }
0x32: {  	_ =	swait.ge [sflag:s9], $0x80  }
0x33: {  	[sflag:s9] =	ssyncset.done $0x0  }
0x34: {  	[sflag:s9] =	ssyncadd.s32 $0xFFFFFF80  }
0x35: {  	[tilespmem:s12], [sflag:$0x2] =	stream.indirect.gather [hbm4b:s1+s10], $0x80, s10, s10, $0xb8;
	[tilespmem:$0x8100] =	vst v63  }
0x36: {  	_ =	swait.ge [sflag:s13], $0x4000  }
0x37: {  	[sflag:s13] =	ssyncset.done $0x0  }
0x38: {  	[sflag:s13] =	ssyncadd.s32 $0xFFFFC000  }
0x39: {  	[hbm4b:s17+s3] =	stream.linear.scatter [tilespmem:s11], [sflag:$0x3], $0x4000, $0x38;
	[tilespmem:$0x8100] =	vst v63  }
0x3a: {  	_ =	swait.ge [sflag:s9], $0x4000  }
0x3b: {  	[sflag:s9] =	ssyncset.done $0x0  }
0x3c: {  	[sflag:s9] =	ssyncadd.s32 $0xFFFFC000  }
.Ltmp0:
0x3d: {  	s16 =	sadd.s32 $0x1000, s16;
	_ =	swait.ge [sflag:s14], $0x4000;
	(pc) =	sbr.rel @p0 .LBB2_2-.Ltmp0, $4  }
0x3e: {  	s20 =	sand.u32 $0x60, s18;
	s17 =	sadd.s32 $0x1000, s17;
	[sflag:s14] =	ssyncset.done $0x0  }
0x3f: {  	s21 =	sadd.s32 s4, s20;
	s19 =	sadd.s32 s18, s8;
	[sflag:s14] =	ssyncadd.s32 $0xFFFFC000  }
0x40: {  	[hbm4b:s24+s3] =	stream.linear.scatter [tilespmem:s12], [sflag:$0x3], $0x4000, $0x38;
	[tilespmem:$0x8100] =	vst v63  }
0x41: {  	s20 =	smov.u32 s23;
	s19 =	sand.u32 $0xFFFFF80, s19;
	_ =	swait.ge [sflag:s9], $0x4000  }
0x42: {  	[sflag:s9] =	ssyncset.done $0x0  }
0x43: {  	s20 =	sadd.s32 s19, s21;
	[sflag:s9] =	ssyncadd.s32 $0xFFFFC000  }
0x44: {  	[tilespmem:s3], [sflag:$0x3] =	stream.linear.gather [hbm4b:s20+s3], $0x80, $0x38;
	[tilespmem:$0x8100] =	vst v63  }
0x45: {  	s18 =	sadd.s32 $0x10, s18;
	_ =	swait.ge [sflag:s9], $0x80  }
0x46: {  	s18 =	sand.u32 $0x70, s18;
	[sflag:s9] =	ssyncset.done $0x0  }
0x47: {  	s18 =	sadd.s32 s4, s18;
	[sflag:s9] =	ssyncadd.s32 $0xFFFFFF80  }
0x48: {  	[tilespmem:s11], [sflag:$0x1] =	stream.indirect.gather [hbm4b:s1+s10], $0x80, s3, s10, $0xb8;
	[tilespmem:$0x8100] =	vst v63  }
0x49: {  	s18 =	sadd.s32 s19, s18  }
0x4a: {  	[tilespmem:s10], [sflag:$0x3] =	stream.linear.gather [hbm4b:s18+s3], $0x80, $0x38;
	[tilespmem:$0x8100] =	vst v63  }
0x4b: {  	_ =	swait.ge [sflag:s9], $0x80  }
0x4c: {  	[sflag:s9] =	ssyncset.done $0x0  }
0x4d: {  	[sflag:s9] =	ssyncadd.s32 $0xFFFFFF80  }
0x4e: {  	[tilespmem:s12], [sflag:$0x2] =	stream.indirect.gather [hbm4b:s1+s10], $0x80, s10, s10, $0xb8;
	[tilespmem:$0x8100] =	vst v63  }
0x4f: {  	_ =	swait.ge [sflag:s13], $0x4000  }
0x50: {  	[sflag:s13] =	ssyncset.done $0x0  }
0x51: {  	[sflag:s13] =	ssyncadd.s32 $0xFFFFC000  }
0x52: {  	[hbm4b:s17+s3] =	stream.linear.scatter [tilespmem:s11], [sflag:$0x3], $0x4000, $0x38;
	[tilespmem:$0x8100] =	vst v63  }
0x53: {  	_ =	swait.ge [sflag:s9], $0x4000  }
0x54: {  	[sflag:s9] =	ssyncset.done $0x0  }
0x55: {  	[sflag:s9] =	ssyncadd.s32 $0xFFFFC000  }
0x56: {  	s15 =	sadd.s32 $0x1, s15;
	_ =	swait.ge [sflag:s14], $0x4000  }
0x57: {  	p0 =	sne.s32 s15, s5;
	[sflag:s14] =	ssyncset.done $0x0  }
.Ltmp1:
0x58: {  	[sflag:s14] =	ssyncadd.s32 $0xFFFFC000;
	(pc) =	sbr.rel @p0 .LBB2_1-.Ltmp1, $4  }
0x59: {  	[hbm4b:s16+s3] =	stream.linear.scatter [tilespmem:s12], [sflag:$0x3], $0x4000, $0x38;
	[tilespmem:$0x8100] =	vst v63  }
0x5a: {  	_ =	swait.ge [sflag:s9], $0x4000  }
0x5b: {  	[sflag:s9] =	ssyncset.done $0x0  }
0x5c: {  	[sflag:s9] =	ssyncadd.s32 $0xFFFFC000  }
0x5d: {  	_ =	sfence.sel $0x180000  }
0x5e: {  	[bflag:$0x0] =	sbarrier.arrive $0xFFFF  }
0x5f: {  	p0 =	sne.s32 s2, $0x0;
	_ =	strace $0x90000047  }
0x60: {  	s0 =	sadd.s32 @!p0 $0x100000, s0;
	[bflag:$0x2] =	sbarrier.arrive $0xFFFF  }
0x61: {  	[sflag:s0] =	ssyncadd.tile.s32 @!p0 $0x1;
	_ =	shalt  }
.Lfunc_end2:
_tile_overlayer_lowered:
.L_overlay_start_2:
0x62: {  	(tag) =	ssettag $0x2  }
0x63: {  	s0 =	rddreg [dreg:$0x0];
	s2 =	stileid.u32  }
0x64: {  	s1 =	rddreg [dreg:$0x1];
	p0 =	sne.s32 s2, $0x0  }
0x65: {  	s3 =	rddreg [dreg:$0x2];
	[bflag:$0x3] =	sbarrier.arrive $0xFFFF;
	s2 =	simm.s32 @!p0 $0x1C03  }
0x66: {  	[timem:s3], [sflag:s2] =	dma.local @!p0 [hbm:s0], s1  }
0x67: {  	s0 =	simm.s32 @!p0 $0x3  }
0x68: {  	_ =	swait.ge @!p0 [sflag:s0], s1  }
0x69: {  	s1 =	ssub.s32 @!p0 $0x0, s1;
	[sflag:s0] =	ssyncset.done @!p0 $0x0  }
0x6a: {  	[sflag:s0] =	ssyncadd.s32 @!p0 s1  }
0x6b: {  	[bflag:$0x3] =	sbarrier.arrive $0xFFFF  }
0x6c: {  	_ =	shalt  }

</sc_bundles>
